<compile_context>
chip_gen: v7x
topology: tpu7x:2x2x1
jax: 0.10.2.dev20260603
libtpu: 0.0.44.dev20260713+nightly
codegen_flags: <defaults>
</compile_context>

<pallas_src>
import dataclasses
import functools

import jax
import jax.numpy as jnp
from jax import lax
from jax.experimental import pallas as pl
from jax.experimental.pallas import tpu as pltpu
from jax.experimental.pallas import tpu_sc as plsc

N = 10000
E = 320000
D = 128
NP = 10240
TILES = 16
CW = 64
CH = 320
NSEG = 10
SEGC = CH // NSEG
PE_T = CH * CW
PAD_E = PE_T * TILES
OUT_T = 624
ZROWS_T = NP // TILES

def _deg_kernel(dsts_hbm, zeros_hbm, out_hbm, idx_v, hist_v, acc_v, tmp_v,
                hist_sp, sem):
    c = lax.axis_index("c")
    s = lax.axis_index("s")
    pltpu.sync_copy(zeros_hbm, hist_v)
    pltpu.sync_copy(dsts_hbm.at[c, s], idx_v)
    ones = jnp.ones((16,), jnp.float32)

    @pl.loop(0, CH)
    def _(i):
        for j in range(CW // 16):
            idx = idx_v[i, pl.ds(j * 16, 16)]
            plsc.addupdate_scatter(hist_v, [idx], ones)

    pltpu.sync_copy(hist_v, hist_sp.at[s])
    plsc.subcore_barrier()

    pltpu.sync_copy(hist_sp.at[0, pl.ds(s * ZROWS_T, ZROWS_T)], acc_v)
    for j in range(1, TILES):
        pltpu.sync_copy(hist_sp.at[j, pl.ds(s * ZROWS_T, ZROWS_T)], tmp_v)

        @pl.loop(0, ZROWS_T // 16)
        def _(k):
            acc_v[pl.ds(k * 16, 16)] = (acc_v[pl.ds(k * 16, 16)]
                                        + tmp_v[pl.ds(k * 16, 16)])

    pltpu.sync_copy(acc_v, out_hbm.at[c, pl.ds(s * ZROWS_T, ZROWS_T)])


def _msg_kernel(g_hbm, srcs_hbm, dsts_hbm, zeros_hbm, out_hbm, idxs_v, idxd_v,
                b0, b1, b2, b3, acc_sp, g0, g1, g2, g3, s0, s1, s2, s3):
    c = lax.axis_index("c")
    s = lax.axis_index("s")
    bufs = (b0, b1, b2, b3)
    gsem = (g0, g1, g2, g3)
    ssem = (s0, s1, s2, s3)

    def wait(buf, sem):
        pltpu.make_async_copy(g_hbm.at[pl.ds(0, CW)], buf, sem).wait()

    pltpu.sync_copy(zeros_hbm.at[pl.ds(s * ZROWS_T, ZROWS_T)],
                    acc_sp.at[pl.ds(s * ZROWS_T, ZROWS_T)])
    plsc.subcore_barrier()

    @pl.loop(0, NSEG)
    def _(seg):
        pltpu.sync_copy(srcs_hbm.at[c, s, pl.ds(seg * SEGC, SEGC)], idxs_v)
        pltpu.sync_copy(dsts_hbm.at[c, s, pl.ds(seg * SEGC, SEGC)], idxd_v)

        @pl.when(seg > 0)
        def _():
            for l in range(3):
                wait(bufs[l], ssem[l])

        for l in range(3):
            pltpu.async_copy(g_hbm.at[idxs_v.at[l]], bufs[l], gsem[l])

        @pl.loop(0, SEGC, step=4)
        def _(i):
            for l in range(4):
                bn = (l + 3) % 4

                @pl.when(i + l + 3 < SEGC)
                def _():
                    @pl.when(seg + i + l > 0)
                    def _():
                        wait(bufs[bn], ssem[bn])

                    pltpu.async_copy(g_hbm.at[idxs_v.at[i + l + 3]],
                                     bufs[bn], gsem[bn])

                wait(bufs[l], gsem[l])
                pltpu.async_copy(bufs[l], acc_sp.at[idxd_v.at[i + l]],
                                 ssem[l], add=True)

    for l in range(4):
        wait(bufs[l], ssem[l])
    plsc.subcore_barrier()
    pltpu.sync_copy(acc_sp.at[pl.ds(s * OUT_T, OUT_T)],
                    out_hbm.at[c, pl.ds(s * OUT_T, OUT_T)])

    @pl.when(s == 0)
    def _():
        pltpu.sync_copy(acc_sp.at[pl.ds(TILES * OUT_T, N - TILES * OUT_T)],
                        out_hbm.at[c, pl.ds(TILES * OUT_T, N - TILES * OUT_T)])


@functools.lru_cache(maxsize=1)
def _build_sc_kernels():
    mesh = plsc.VectorSubcoreMesh(core_axis_name="c", subcore_axis_name="s",
                                  num_cores=2, num_subcores=16)
    cp = pltpu.CompilerParams()
    if "needs_layout_passes" in pltpu.CompilerParams.__dataclass_fields__:
        cp = dataclasses.replace(cp, needs_layout_passes=False)
    deg = pl.kernel(
        _deg_kernel,
        out_type=jax.ShapeDtypeStruct((2, NP), jnp.float32),
        mesh=mesh,
        compiler_params=cp,
        scratch_types=[
            pltpu.VMEM((CH, CW), jnp.int32),
            pltpu.VMEM((NP,), jnp.float32),
            pltpu.VMEM((ZROWS_T,), jnp.float32),
            pltpu.VMEM((ZROWS_T,), jnp.float32),
            pltpu.VMEM_SHARED((TILES, NP), jnp.float32),
            pltpu.SemaphoreType.DMA,
        ],
    )
    msg = pl.kernel(
        _msg_kernel,
        out_type=jax.ShapeDtypeStruct((2, N, D), jnp.float32),
        mesh=mesh,
        compiler_params=cp,
        scratch_types=[
            pltpu.VMEM((SEGC, CW), jnp.int32),
            pltpu.VMEM((SEGC, CW), jnp.int32),
            pltpu.VMEM((CW, D), jnp.float32),
            pltpu.VMEM((CW, D), jnp.float32),
            pltpu.VMEM((CW, D), jnp.float32),
            pltpu.VMEM((CW, D), jnp.float32),
            pltpu.VMEM_SHARED((NP, D), jnp.float32),
        ] + [pltpu.SemaphoreType.DMA] * 8,
    )
    return deg, msg


def _elu(x):
    return jnp.where(x > 0, x, jnp.exp(jnp.minimum(x, 0.0)) - 1.0)


def _proj_body(x_ref, w_ref, b_ref, h_ref):
    h = jnp.dot(x_ref[...], w_ref[...], preferred_element_type=jnp.float32)
    h_ref[...] = _elu(h + b_ref[...])


def _scale_body(h_ref, d0_ref, d1_ref, g_ref):
    h = h_ref[...]
    g_ref[0] = lax.rsqrt(jnp.maximum(d0_ref[...], 1.0)) * h
    g_ref[1] = lax.rsqrt(jnp.maximum(d1_ref[...], 1.0)) * h


def _pack_g(g):
    gp = g.reshape(2 * N, D // 32, 2, 16).transpose(0, 1, 3, 2)
    return gp.reshape(2 * N, D)


def _final_body(acc_ref, d0_ref, d1_ref, wa_ref, ba_ref, qa_ref, out_ref):
    z0 = _elu(lax.rsqrt(jnp.maximum(d0_ref[...], 1.0)) * acc_ref[0])
    z1 = _elu(lax.rsqrt(jnp.maximum(d1_ref[...], 1.0)) * acc_ref[1])
    wa = wa_ref[...]
    ba = ba_ref[...]
    qa = qa_ref[...]
    y0 = jnp.tanh(jnp.dot(z0, wa, preferred_element_type=jnp.float32) + ba)
    y1 = jnp.tanh(jnp.dot(z1, wa, preferred_element_type=jnp.float32) + ba)
    w0 = jnp.sum(y0 * qa, keepdims=True) * (1.0 / N)
    w1 = jnp.sum(y1 * qa, keepdims=True) * (1.0 / N)
    b1 = 1.0 / (1.0 + jnp.exp(w0 - w1))
    b0 = 1.0 - b1
    out_ref[...] = b0 * z0 + b1 * z1


def _pad_edges(ei, src_off):
    src = jnp.concatenate(
        [ei[0] + src_off, jnp.zeros((PAD_E - E,), dtype=jnp.int32)])
    dst = jnp.concatenate(
        [ei[1], jnp.full((PAD_E - E,), N, dtype=jnp.int32)])
    return (src.reshape(TILES, CH, CW), dst.reshape(TILES, CH, CW))


def kernel(x_target, x_type1, x_type2, ei_mp0, ei_mp1, ei_sc0, ei_sc1,
           W0, b0, W1, b1, W2, b2, W_att, b_att, q_att,
           a_src0, a_dst0, a_src1, a_dst1, W_sc, b_sc, q_sc):
    src0, dst0 = _pad_edges(ei_mp0, 0)
    src1, dst1 = _pad_edges(ei_mp1, N)
    srcs = jnp.stack([src0, src1])
    dsts = jnp.stack([dst0, dst1])

    _deg, _msg = _build_sc_kernels()
    deg = _deg(dsts, jnp.zeros((NP,), jnp.float32))
    d0 = deg[0, :N, None]
    d1 = deg[1, :N, None]

    h = pl.pallas_call(
        _proj_body,
        out_shape=jax.ShapeDtypeStruct((N, D), jnp.float32),
    )(x_target, W0, b0.reshape(1, D))
    g = pl.pallas_call(
        _scale_body,
        out_shape=jax.ShapeDtypeStruct((2, N, D), jnp.float32),
    )(h, d0, d1)

    zerosd = jnp.zeros((NP, D), jnp.float32)
    acc = _msg(g.reshape(2 * N, D), srcs, dsts, zerosd)

    out = pl.pallas_call(
        _final_body,
        out_shape=jax.ShapeDtypeStruct((N, D), jnp.float32),
    )(acc, d0, d1, W_att, b_att.reshape(1, D), q_att.reshape(1, D))
    return out

# --- scband reference (transcript-rebuilt; emitter-appended) ---
"""Pipeline reference for scband-gnnencoder-35656818492172 (READ-ONLY COPY).

The authoritative reference and input builder live on the scoring server;
editing this copy changes nothing except your own understanding.
"""

import jax, jax.numpy as jnp
import numpy as np

N = 10000
E = 320000
D_IN = 128
H = 128


def setup_inputs(seed: int = 0) -> dict:
    key = jax.random.key(seed)
    ks = jax.random.split(key, 24)
    sc_in = 1.0 / np.sqrt(D_IN)
    sc_h = 1.0 / np.sqrt(H)
    inp = {}
    inp["x_target"] = jax.random.normal(ks[0], (N, D_IN), dtype=jnp.float32)
    inp["x_type1"] = jax.random.normal(ks[1], (N, D_IN), dtype=jnp.float32)
    inp["x_type2"] = jax.random.normal(ks[2], (N, D_IN), dtype=jnp.float32)
    inp["ei_mp0"] = jax.random.randint(ks[3], (2, E), 0, N, dtype=jnp.int32)
    inp["ei_mp1"] = jax.random.randint(ks[4], (2, E), 0, N, dtype=jnp.int32)
    inp["ei_sc0"] = jax.random.randint(ks[5], (2, E), 0, N, dtype=jnp.int32)
    inp["ei_sc1"] = jax.random.randint(ks[6], (2, E), 0, N, dtype=jnp.int32)
    # per-node-type projection (LazyLinear equivalents)
    inp["W0"] = jax.random.normal(ks[7], (D_IN, H), dtype=jnp.float32) * sc_in
    inp["b0"] = jnp.zeros((H,), dtype=jnp.float32)
    inp["W1"] = jax.random.normal(ks[8], (D_IN, H), dtype=jnp.float32) * sc_in
    inp["b1"] = jnp.zeros((H,), dtype=jnp.float32)
    inp["W2"] = jax.random.normal(ks[9], (D_IN, H), dtype=jnp.float32) * sc_in
    inp["b2"] = jnp.zeros((H,), dtype=jnp.float32)
    # meta-path (Mp_encoder) semantic attention params
    inp["W_att"] = jax.random.normal(ks[10], (H, H), dtype=jnp.float32) * sc_h
    inp["b_att"] = jnp.zeros((H,), dtype=jnp.float32)
    inp["q_att"] = jax.random.normal(ks[11], (H,), dtype=jnp.float32) * sc_h
    # schema (Sc_encoder) per-relation GAT params
    inp["a_src0"] = jax.random.normal(ks[12], (H,), dtype=jnp.float32) * sc_h
    inp["a_dst0"] = jax.random.normal(ks[13], (H,), dtype=jnp.float32) * sc_h
    inp["a_src1"] = jax.random.normal(ks[14], (H,), dtype=jnp.float32) * sc_h
    inp["a_dst1"] = jax.random.normal(ks[15], (H,), dtype=jnp.float32) * sc_h
    # schema inter-relation attention params
    inp["W_sc"] = jax.random.normal(ks[16], (H, H), dtype=jnp.float32) * sc_h
    inp["b_sc"] = jnp.zeros((H,), dtype=jnp.float32)
    inp["q_sc"] = jax.random.normal(ks[17], (H,), dtype=jnp.float32) * sc_h
    return inp


def _gcn(h, ei):
    src = ei[0]
    dst = ei[1]
    n = h.shape[0]
    deg = jnp.zeros((n,), dtype=jnp.float32).at[dst].add(1.0)
    dis = jax.lax.rsqrt(jnp.maximum(deg, 1.0))
    norm = dis[src] * dis[dst]
    msg = h[src] * norm[:, None]
    out = jnp.zeros_like(h).at[dst].add(msg)
    return jax.nn.elu(out)


def _gat(h_dst, h_src, ei, a_src, a_dst):
    src = ei[0]
    dst = ei[1]
    n = h_dst.shape[0]
    e = jax.nn.leaky_relu(h_src[src] @ a_src + h_dst[dst] @ a_dst, negative_slope=0.2)
    emax = jnp.full((n,), -1e30, dtype=jnp.float32).at[dst].max(e)
    ex = jnp.exp(e - emax[dst])
    denom = jnp.zeros((n,), dtype=jnp.float32).at[dst].add(ex)
    alpha = ex / (denom[dst] + 1e-16)
    out = jnp.zeros_like(h_dst).at[dst].add(h_src[src] * alpha[:, None])
    return jax.nn.elu(out)


def _att_combine(zs, W, b, q):
    w = jnp.stack([jnp.mean(jnp.tanh(z @ W + b) @ q) for z in zs])
    beta = jax.nn.softmax(w)
    out = beta[0] * zs[0]
    for i in range(1, len(zs)):
        out = out + beta[i] * zs[i]
    return out


def reference(x_target, x_type1, x_type2, ei_mp0, ei_mp1, ei_sc0, ei_sc1,
              W0, b0, W1, b1, W2, b2, W_att, b_att, q_att,
              a_src0, a_dst0, a_src1, a_dst1, W_sc, b_sc, q_sc):
    # per-node-type projection + ELU (feat_drop is identity with projection_drop=0)
    h_t = jax.nn.elu(x_target @ W0 + b0)
    h_1 = jax.nn.elu(x_type1 @ W1 + b1)
    h_2 = jax.nn.elu(x_type2 @ W2 + b2)
    # Mp_encoder: GCN per meta-path + semantic attention (P=2)
    z0 = _gcn(h_t, ei_mp0)
    z1 = _gcn(h_t, ei_mp1)
    z_mp = _att_combine([z0, z1], W_att, b_att, q_att)
    # Sc_encoder: GAT per schema relation + inter-relation attention
    s0 = _gat(h_t, h_1, ei_sc0, a_src0, a_dst0)
    s1 = _gat(h_t, h_2, ei_sc1, a_src1, a_dst1)
    z_sc = _att_combine([s0, s1], W_sc, b_sc, q_sc)
    # mode == 'test': return z_mp (z_sc computed but unused, matching original)
    return z_mp

if __name__ == "__main__":
    import jax
    _d = setup_inputs()
    print(jax.jit(kernel)(*tuple(_d.values())))

</pallas_src>

<mosaic_0001>
#map = affine_map<(d0, d1) -> (0, 0, 0, 0)>
#map1 = affine_map<(d0, d1) -> (0)>
#map2 = affine_map<(d0, d1) -> (0, 0)>
module attributes {stable_mosaic.version = 14 : i64} {
  func.func @_deg_kernel(%arg0: i32, %arg1: i32, %arg2: memref<2x16x320x64xi32, #tpu.memory_space<hbm>>, %arg3: memref<10240xf32, #tpu.memory_space<hbm>>, %arg4: memref<2x10240xf32, #tpu.memory_space<hbm>>, %arg5: memref<320x64xi32, #tpu.memory_space<vmem>>, %arg6: memref<10240xf32, #tpu.memory_space<vmem>>, %arg7: memref<640xf32, #tpu.memory_space<vmem>>, %arg8: memref<640xf32, #tpu.memory_space<vmem>>, %arg9: memref<16x10240xf32, #tpu.memory_space<vmem_shared>>, %arg10: memref<!tpu.dma_semaphore, #tpu.memory_space<semaphore_mem>>) attributes {dimension_semantics = [#tpu.dimension_semantics<core_parallel>, #tpu.dimension_semantics<subcore_parallel>], iteration_bounds = array<i64: 2, 16>, scalar_prefetch = 0 : i64, scratch_operands = 6 : i64, tpu.core_type = #tpu.core_type<sc_vector_subcore>, window_params = [{transform_indices = #map}, {transform_indices = #map1}, {transform_indices = #map2}]} {
    "tpu.region"() ({
      %run_scoped3A_128 = tpu.sem_alloc : memref<!tpu.dma_semaphore, #tpu.memory_space<semaphore_mem>>
      tpu.enqueue_dma source(%arg3 : memref<10240xf32, #tpu.memory_space<hbm>>) target(%arg6 : memref<10240xf32, #tpu.memory_space<vmem>>) target_semaphore(%run_scoped3A_128 : memref<!tpu.dma_semaphore, #tpu.memory_space<semaphore_mem>>)
      tpu.wait_dma2 semaphore(%run_scoped3A_128 : memref<!tpu.dma_semaphore, #tpu.memory_space<semaphore_mem>>) src(%arg3 : memref<10240xf32, #tpu.memory_space<hbm>>) dst(%arg6 : memref<10240xf32, #tpu.memory_space<vmem>>)
      tpu.yield
    }) : () -> ()
    "tpu.region"() ({
      %run_scoped3A_128 = tpu.sem_alloc : memref<!tpu.dma_semaphore, #tpu.memory_space<semaphore_mem>>
      %dma_start3A = arith.constant 0 : i32
      %dma_start3A_129 = arith.constant 0 : i32
      %dma_start3A_130 = tpu.memref_slice %arg2[%arg0, %arg1, %dma_start3A, %dma_start3A_129] : memref<2x16x320x64xi32, #tpu.memory_space<hbm>> -> memref<1x1x320x64xi32, #tpu.memory_space<hbm>>
      %dma_start3A_131 = tpu.memref_squeeze %dma_start3A_130 : memref<1x1x320x64xi32, #tpu.memory_space<hbm>> -> memref<320x64xi32, #tpu.memory_space<hbm>>
      %dma_start3A_132 = arith.constant 0 : i32
      %dma_start3A_133 = arith.constant 0 : i32
      %dma_start3A_134 = tpu.memref_slice %arg2[%arg0, %arg1, %dma_start3A_132, %dma_start3A_133] : memref<2x16x320x64xi32, #tpu.memory_space<hbm>> -> memref<1x1x320x64xi32, #tpu.memory_space<hbm>>
      %dma_start3A_135 = tpu.memref_squeeze %dma_start3A_134 : memref<1x1x320x64xi32, #tpu.memory_space<hbm>> -> memref<320x64xi32, #tpu.memory_space<hbm>>
      tpu.enqueue_dma source(%dma_start3A_135 : memref<320x64xi32, #tpu.memory_space<hbm>>) target(%arg5 : memref<320x64xi32, #tpu.memory_space<vmem>>) target_semaphore(%run_scoped3A_128 : memref<!tpu.dma_semaphore, #tpu.memory_space<semaphore_mem>>)
      %dma_wait3A = arith.constant 0 : i32
      %dma_wait3A_136 = arith.constant 0 : i32
      %dma_wait3A_137 = tpu.memref_slice %arg2[%arg0, %arg1, %dma_wait3A, %dma_wait3A_136] : memref<2x16x320x64xi32, #tpu.memory_space<hbm>> -> memref<1x1x320x64xi32, #tpu.memory_space<hbm>>
      %dma_wait3A_138 = tpu.memref_squeeze %dma_wait3A_137 : memref<1x1x320x64xi32, #tpu.memory_space<hbm>> -> memref<320x64xi32, #tpu.memory_space<hbm>>
      %dma_wait3A_139 = arith.constant 0 : i32
      %dma_wait3A_140 = arith.constant 0 : i32
      %dma_wait3A_141 = tpu.memref_slice %arg2[%arg0, %arg1, %dma_wait3A_139, %dma_wait3A_140] : memref<2x16x320x64xi32, #tpu.memory_space<hbm>> -> memref<1x1x320x64xi32, #tpu.memory_space<hbm>>
      %dma_wait3A_142 = tpu.memref_squeeze %dma_wait3A_141 : memref<1x1x320x64xi32, #tpu.memory_space<hbm>> -> memref<320x64xi32, #tpu.memory_space<hbm>>
      tpu.wait_dma2 semaphore(%run_scoped3A_128 : memref<!tpu.dma_semaphore, #tpu.memory_space<semaphore_mem>>) src(%dma_wait3A_142 : memref<320x64xi32, #tpu.memory_space<hbm>>) dst(%arg5 : memref<320x64xi32, #tpu.memory_space<vmem>>)
      tpu.yield
    }) : () -> ()
    %broadcast_in_dim3A = arith.constant 1.000000e+00 : f32
    %broadcast_in_dim3A_0 = vector.broadcast %broadcast_in_dim3A : f32 to vector<16xf32>
    %scan3A = arith.constant 0 : i32
    %scan3A_1 = arith.constant 320 : i32
    %scan3A_2 = arith.addi %scan3A, %scan3A_1 : i32
    %scan3A_3 = arith.constant 1 : i32
    scf.for %scan3A_128 = %scan3A to %scan3A_2 step %scan3A_3  : i32 {
      %mul3A_129 = arith.constant 1 : i32
      %mul3A_130 = arith.muli %scan3A_128, %mul3A_129 : i32
      %add3A = arith.constant 0 : i32
      %add3A_131 = arith.addi %add3A, %mul3A_130 : i32
      %get3A = arith.index_cast %add3A_131 : i32 to index
      %get3A_132 = arith.constant 0 : index
      %get3A_133 = tpu.vector_load %arg5[%get3A, %get3A_132] {strides = array<i32>} : memref<320x64xi32, #tpu.memory_space<vmem>>, vector<16xi32>,
      tpu.vector_store_idx %arg6[%get3A_133], %broadcast_in_dim3A_0 {add = true} : memref<10240xf32, #tpu.memory_space<vmem>>[vector<16xi32>], vector<16xf32>,
      %get3A_134 = arith.index_cast %add3A_131 : i32 to index
      %get3A_135 = arith.constant 16 : index
      %get3A_136 = tpu.vector_load %arg5[%get3A_134, %get3A_135] {strides = array<i32>} : memref<320x64xi32, #tpu.memory_space<vmem>>, vector<16xi32>,
      tpu.vector_store_idx %arg6[%get3A_136], %broadcast_in_dim3A_0 {add = true} : memref<10240xf32, #tpu.memory_space<vmem>>[vector<16xi32>], vector<16xf32>,
      %get3A_137 = arith.index_cast %add3A_131 : i32 to index
      %get3A_138 = arith.constant 32 : index
      %get3A_139 = tpu.vector_load %arg5[%get3A_137, %get3A_138] {strides = array<i32>} : memref<320x64xi32, #tpu.memory_space<vmem>>, vector<16xi32>,
      tpu.vector_store_idx %arg6[%get3A_139], %broadcast_in_dim3A_0 {add = true} : memref<10240xf32, #tpu.memory_space<vmem>>[vector<16xi32>], vector<16xf32>,
      %get3A_140 = arith.index_cast %add3A_131 : i32 to index
      %get3A_141 = arith.constant 48 : index
      %get3A_142 = tpu.vector_load %arg5[%get3A_140, %get3A_141] {strides = array<i32>} : memref<320x64xi32, #tpu.memory_space<vmem>>, vector<16xi32>,
      tpu.vector_store_idx %arg6[%get3A_142], %broadcast_in_dim3A_0 {add = true} : memref<10240xf32, #tpu.memory_space<vmem>>[vector<16xi32>], vector<16xf32>,
    }
    %scan3A_4 = arith.constant 320 : i32
    "tpu.region"() ({
      %run_scoped3A_128 = tpu.sem_alloc : memref<!tpu.dma_semaphore, #tpu.memory_space<semaphore_mem>>
      %dma_start3A = arith.constant 0 : i32
      %dma_start3A_129 = tpu.memref_slice %arg9[%arg1, %dma_start3A] : memref<16x10240xf32, #tpu.memory_space<vmem_shared>> -> memref<1x10240xf32, #tpu.memory_space<vmem_shared>>
      %dma_start3A_130 = tpu.memref_squeeze %dma_start3A_129 : memref<1x10240xf32, #tpu.memory_space<vmem_shared>> -> memref<10240xf32, #tpu.memory_space<vmem_shared>>
      %dma_start3A_131 = arith.constant 0 : i32
      %dma_start3A_132 = tpu.memref_slice %arg9[%arg1, %dma_start3A_131] : memref<16x10240xf32, #tpu.memory_space<vmem_shared>> -> memref<1x10240xf32, #tpu.memory_space<vmem_shared>>
      %dma_start3A_133 = tpu.memref_squeeze %dma_start3A_132 : memref<1x10240xf32, #tpu.memory_space<vmem_shared>> -> memref<10240xf32, #tpu.memory_space<vmem_shared>>
      tpu.enqueue_dma source(%arg6 : memref<10240xf32, #tpu.memory_space<vmem>>) target(%dma_start3A_133 : memref<10240xf32, #tpu.memory_space<vmem_shared>>) target_semaphore(%run_scoped3A_128 : memref<!tpu.dma_semaphore, #tpu.memory_space<semaphore_mem>>)
      %dma_wait3A = arith.constant 0 : i32
      %dma_wait3A_134 = tpu.memref_slice %arg9[%arg1, %dma_wait3A] : memref<16x10240xf32, #tpu.memory_space<vmem_shared>> -> memref<1x10240xf32, #tpu.memory_space<vmem_shared>>
      %dma_wait3A_135 = tpu.memref_squeeze %dma_wait3A_134 : memref<1x10240xf32, #tpu.memory_space<vmem_shared>> -> memref<10240xf32, #tpu.memory_space<vmem_shared>>
      %dma_wait3A_136 = arith.constant 0 : i32
      %dma_wait3A_137 = tpu.memref_slice %arg9[%arg1, %dma_wait3A_136] : memref<16x10240xf32, #tpu.memory_space<vmem_shared>> -> memref<1x10240xf32, #tpu.memory_space<vmem_shared>>
      %dma_wait3A_138 = tpu.memref_squeeze %dma_wait3A_137 : memref<1x10240xf32, #tpu.memory_space<vmem_shared>> -> memref<10240xf32, #tpu.memory_space<vmem_shared>>
      tpu.wait_dma2 semaphore(%run_scoped3A_128 : memref<!tpu.dma_semaphore, #tpu.memory_space<semaphore_mem>>) src(%arg6 : memref<10240xf32, #tpu.memory_space<vmem>>) dst(%dma_wait3A_138 : memref<10240xf32, #tpu.memory_space<vmem_shared>>)
      tpu.yield
    }) : () -> ()
    %barrier3A = arith.constant 0 : index
    tpu.barrier barrier_id(%barrier3A)
    %mul3A = arith.constant 640 : i32
    %mul3A_5 = arith.muli %arg1, %mul3A : i32
    %run_scoped3A = arith.constant 0 : i32
    "tpu.region"() ({
      %run_scoped3A_128 = tpu.sem_alloc : memref<!tpu.dma_semaphore, #tpu.memory_space<semaphore_mem>>
      %dma_start3A = tpu.memref_slice %arg9[%run_scoped3A, %mul3A_5] : memref<16x10240xf32, #tpu.memory_space<vmem_shared>> -> memref<1x640xf32, #tpu.memory_space<vmem_shared>>
      %dma_start3A_129 = tpu.memref_squeeze %dma_start3A : memref<1x640xf32, #tpu.memory_space<vmem_shared>> -> memref<640xf32, #tpu.memory_space<vmem_shared>>
      %dma_start3A_130 = tpu.memref_slice %arg9[%run_scoped3A, %mul3A_5] : memref<16x10240xf32, #tpu.memory_space<vmem_shared>> -> memref<1x640xf32, #tpu.memory_space<vmem_shared>>
      %dma_start3A_131 = tpu.memref_squeeze %dma_start3A_130 : memref<1x640xf32, #tpu.memory_space<vmem_shared>> -> memref<640xf32, #tpu.memory_space<vmem_shared>>
      tpu.enqueue_dma source(%dma_start3A_131 : memref<640xf32, #tpu.memory_space<vmem_shared>>) target(%arg7 : memref<640xf32, #tpu.memory_space<vmem>>) target_semaphore(%run_scoped3A_128 : memref<!tpu.dma_semaphore, #tpu.memory_space<semaphore_mem>>)
      %dma_wait3A = tpu.memref_slice %arg9[%run_scoped3A, %mul3A_5] : memref<16x10240xf32, #tpu.memory_space<vmem_shared>> -> memref<1x640xf32, #tpu.memory_space<vmem_shared>>
      %dma_wait3A_132 = tpu.memref_squeeze %dma_wait3A : memref<1x640xf32, #tpu.memory_space<vmem_shared>> -> memref<640xf32, #tpu.memory_space<vmem_shared>>
      %dma_wait3A_133 = tpu.memref_slice %arg9[%run_scoped3A, %mul3A_5] : memref<16x10240xf32, #tpu.memory_space<vmem_shared>> -> memref<1x640xf32, #tpu.memory_space<vmem_shared>>
      %dma_wait3A_134 = tpu.memref_squeeze %dma_wait3A_133 : memref<1x640xf32, #tpu.memory_space<vmem_shared>> -> memref<640xf32, #tpu.memory_space<vmem_shared>>
      tpu.wait_dma2 semaphore(%run_scoped3A_128 : memref<!tpu.dma_semaphore, #tpu.memory_space<semaphore_mem>>) src(%dma_wait3A_134 : memref<640xf32, #tpu.memory_space<vmem_shared>>) dst(%arg7 : memref<640xf32, #tpu.memory_space<vmem>>)
      tpu.yield
    }) : () -> ()
    %mul3A_6 = arith.constant 640 : i32
    %mul3A_7 = arith.muli %arg1, %mul3A_6 : i32
    %run_scoped3A_8 = arith.constant 1 : i32
    "tpu.region"() ({
      %run_scoped3A_128 = tpu.sem_alloc : memref<!tpu.dma_semaphore, #tpu.memory_space<semaphore_mem>>
      %dma_start3A = tpu.memref_slice %arg9[%run_scoped3A_8, %mul3A_7] : memref<16x10240xf32, #tpu.memory_space<vmem_shared>> -> memref<1x640xf32, #tpu.memory_space<vmem_shared>>
      %dma_start3A_129 = tpu.memref_squeeze %dma_start3A : memref<1x640xf32, #tpu.memory_space<vmem_shared>> -> memref<640xf32, #tpu.memory_space<vmem_shared>>
      %dma_start3A_130 = tpu.memref_slice %arg9[%run_scoped3A_8, %mul3A_7] : memref<16x10240xf32, #tpu.memory_space<vmem_shared>> -> memref<1x640xf32, #tpu.memory_space<vmem_shared>>
      %dma_start3A_131 = tpu.memref_squeeze %dma_start3A_130 : memref<1x640xf32, #tpu.memory_space<vmem_shared>> -> memref<640xf32, #tpu.memory_space<vmem_shared>>
      tpu.enqueue_dma source(%dma_start3A_131 : memref<640xf32, #tpu.memory_space<vmem_shared>>) target(%arg8 : memref<640xf32, #tpu.memory_space<vmem>>) target_semaphore(%run_scoped3A_128 : memref<!tpu.dma_semaphore, #tpu.memory_space<semaphore_mem>>)
      %dma_wait3A = tpu.memref_slice %arg9[%run_scoped3A_8, %mul3A_7] : memref<16x10240xf32, #tpu.memory_space<vmem_shared>> -> memref<1x640xf32, #tpu.memory_space<vmem_shared>>
      %dma_wait3A_132 = tpu.memref_squeeze %dma_wait3A : memref<1x640xf32, #tpu.memory_space<vmem_shared>> -> memref<640xf32, #tpu.memory_space<vmem_shared>>
      %dma_wait3A_133 = tpu.memref_slice %arg9[%run_scoped3A_8, %mul3A_7] : memref<16x10240xf32, #tpu.memory_space<vmem_shared>> -> memref<1x640xf32, #tpu.memory_space<vmem_shared>>
      %dma_wait3A_134 = tpu.memref_squeeze %dma_wait3A_133 : memref<1x640xf32, #tpu.memory_space<vmem_shared>> -> memref<640xf32, #tpu.memory_space<vmem_shared>>
      tpu.wait_dma2 semaphore(%run_scoped3A_128 : memref<!tpu.dma_semaphore, #tpu.memory_space<semaphore_mem>>) src(%dma_wait3A_134 : memref<640xf32, #tpu.memory_space<vmem_shared>>) dst(%arg8 : memref<640xf32, #tpu.memory_space<vmem>>)
      tpu.yield
    }) : () -> ()
    %scan3A_9 = arith.constant 0 : i32
    %scan3A_10 = arith.constant 40 : i32
    %scan3A_11 = arith.addi %scan3A_9, %scan3A_10 : i32
    %scan3A_12 = arith.constant 1 : i32
    scf.for %scan3A_128 = %scan3A_9 to %scan3A_11 step %scan3A_12  : i32 {
      %mul3A_129 = arith.constant 1 : i32
      %mul3A_130 = arith.muli %scan3A_128, %mul3A_129 : i32
      %add3A = arith.constant 0 : i32
      %add3A_131 = arith.addi %add3A, %mul3A_130 : i32
      %mul3A_132 = arith.constant 16 : i32
      %mul3A_133 = arith.muli %add3A_131, %mul3A_132 : i32
      %get3A = arith.index_cast %mul3A_133 : i32 to index
      %get3A_134 = tpu.vector_load %arg7[%get3A] {strides = array<i32>} : memref<640xf32, #tpu.memory_space<vmem>>, vector<16xf32>,
      %mul3A_135 = arith.constant 16 : i32
      %mul3A_136 = arith.muli %add3A_131, %mul3A_135 : i32
      %get3A_137 = arith.index_cast %mul3A_136 : i32 to index
      %get3A_138 = tpu.vector_load %arg8[%get3A_137] {strides = array<i32>} : memref<640xf32, #tpu.memory_space<vmem>>, vector<16xf32>,
      %add3A_139 = arith.addf %get3A_134, %get3A_138 : vector<16xf32>
      %mul3A_140 = arith.constant 16 : i32
      %mul3A_141 = arith.muli %add3A_131, %mul3A_140 : i32
      %swap3A = arith.index_cast %mul3A_141 : i32 to index
      %swap3A_142 = tpu.vector_load %arg7[%swap3A] {strides = array<i32>} : memref<640xf32, #tpu.memory_space<vmem>>, vector<16xf32>,
      tpu.vector_store %arg7[%swap3A], %add3A_139 {strides = array<i32>} : memref<640xf32, #tpu.memory_space<vmem>>, vector<16xf32>,
    }
    %scan3A_13 = arith.constant 40 : i32
    %mul3A_14 = arith.constant 640 : i32
    %mul3A_15 = arith.muli %arg1, %mul3A_14 : i32
    %run_scoped3A_16 = arith.constant 2 : i32
    "tpu.region"() ({
      %run_scoped3A_128 = tpu.sem_alloc : memref<!tpu.dma_semaphore, #tpu.memory_space<semaphore_mem>>
      %dma_start3A = tpu.memref_slice %arg9[%run_scoped3A_16, %mul3A_15] : memref<16x10240xf32, #tpu.memory_space<vmem_shared>> -> memref<1x640xf32, #tpu.memory_space<vmem_shared>>
      %dma_start3A_129 = tpu.memref_squeeze %dma_start3A : memref<1x640xf32, #tpu.memory_space<vmem_shared>> -> memref<640xf32, #tpu.memory_space<vmem_shared>>
      %dma_start3A_130 = tpu.memref_slice %arg9[%run_scoped3A_16, %mul3A_15] : memref<16x10240xf32, #tpu.memory_space<vmem_shared>> -> memref<1x640xf32, #tpu.memory_space<vmem_shared>>
      %dma_start3A_131 = tpu.memref_squeeze %dma_start3A_130 : memref<1x640xf32, #tpu.memory_space<vmem_shared>> -> memref<640xf32, #tpu.memory_space<vmem_shared>>
      tpu.enqueue_dma source(%dma_start3A_131 : memref<640xf32, #tpu.memory_space<vmem_shared>>) target(%arg8 : memref<640xf32, #tpu.memory_space<vmem>>) target_semaphore(%run_scoped3A_128 : memref<!tpu.dma_semaphore, #tpu.memory_space<semaphore_mem>>)
      %dma_wait3A = tpu.memref_slice %arg9[%run_scoped3A_16, %mul3A_15] : memref<16x10240xf32, #tpu.memory_space<vmem_shared>> -> memref<1x640xf32, #tpu.memory_space<vmem_shared>>
      %dma_wait3A_132 = tpu.memref_squeeze %dma_wait3A : memref<1x640xf32, #tpu.memory_space<vmem_shared>> -> memref<640xf32, #tpu.memory_space<vmem_shared>>
      %dma_wait3A_133 = tpu.memref_slice %arg9[%run_scoped3A_16, %mul3A_15] : memref<16x10240xf32, #tpu.memory_space<vmem_shared>> -> memref<1x640xf32, #tpu.memory_space<vmem_shared>>
      %dma_wait3A_134 = tpu.memref_squeeze %dma_wait3A_133 : memref<1x640xf32, #tpu.memory_space<vmem_shared>> -> memref<640xf32, #tpu.memory_space<vmem_shared>>
      tpu.wait_dma2 semaphore(%run_scoped3A_128 : memref<!tpu.dma_semaphore, #tpu.memory_space<semaphore_mem>>) src(%dma_wait3A_134 : memref<640xf32, #tpu.memory_space<vmem_shared>>) dst(%arg8 : memref<640xf32, #tpu.memory_space<vmem>>)
      tpu.yield
    }) : () -> ()
    %scan3A_17 = arith.constant 0 : i32
    %scan3A_18 = arith.constant 40 : i32
    %scan3A_19 = arith.addi %scan3A_17, %scan3A_18 : i32
    %scan3A_20 = arith.constant 1 : i32
    scf.for %scan3A_128 = %scan3A_17 to %scan3A_19 step %scan3A_20  : i32 {
      %mul3A_129 = arith.constant 1 : i32
      %mul3A_130 = arith.muli %scan3A_128, %mul3A_129 : i32
      %add3A = arith.constant 0 : i32
      %add3A_131 = arith.addi %add3A, %mul3A_130 : i32
      %mul3A_132 = arith.constant 16 : i32
      %mul3A_133 = arith.muli %add3A_131, %mul3A_132 : i32
      %get3A = arith.index_cast %mul3A_133 : i32 to index
      %get3A_134 = tpu.vector_load %arg7[%get3A] {strides = array<i32>} : memref<640xf32, #tpu.memory_space<vmem>>, vector<16xf32>,
      %mul3A_135 = arith.constant 16 : i32
      %mul3A_136 = arith.muli %add3A_131, %mul3A_135 : i32
      %get3A_137 = arith.index_cast %mul3A_136 : i32 to index
      %get3A_138 = tpu.vector_load %arg8[%get3A_137] {strides = array<i32>} : memref<640xf32, #tpu.memory_space<vmem>>, vector<16xf32>,
      %add3A_139 = arith.addf %get3A_134, %get3A_138 : vector<16xf32>
      %mul3A_140 = arith.constant 16 : i32
      %mul3A_141 = arith.muli %add3A_131, %mul3A_140 : i32
      %swap3A = arith.index_cast %mul3A_141 : i32 to index
      %swap3A_142 = tpu.vector_load %arg7[%swap3A] {strides = array<i32>} : memref<640xf32, #tpu.memory_space<vmem>>, vector<16xf32>,
      tpu.vector_store %arg7[%swap3A], %add3A_139 {strides = array<i32>} : memref<640xf32, #tpu.memory_space<vmem>>, vector<16xf32>,
    }
    %scan3A_21 = arith.constant 40 : i32
    %mul3A_22 = arith.constant 640 : i32
    %mul3A_23 = arith.muli %arg1, %mul3A_22 : i32
    %run_scoped3A_24 = arith.constant 3 : i32
    "tpu.region"() ({
      %run_scoped3A_128 = tpu.sem_alloc : memref<!tpu.dma_semaphore, #tpu.memory_space<semaphore_mem>>
      %dma_start3A = tpu.memref_slice %arg9[%run_scoped3A_24, %mul3A_23] : memref<16x10240xf32, #tpu.memory_space<vmem_shared>> -> memref<1x640xf32, #tpu.memory_space<vmem_shared>>
      %dma_start3A_129 = tpu.memref_squeeze %dma_start3A : memref<1x640xf32, #tpu.memory_space<vmem_shared>> -> memref<640xf32, #tpu.memory_space<vmem_shared>>
      %dma_start3A_130 = tpu.memref_slice %arg9[%run_scoped3A_24, %mul3A_23] : memref<16x10240xf32, #tpu.memory_space<vmem_shared>> -> memref<1x640xf32, #tpu.memory_space<vmem_shared>>
      %dma_start3A_131 = tpu.memref_squeeze %dma_start3A_130 : memref<1x640xf32, #tpu.memory_space<vmem_shared>> -> memref<640xf32, #tpu.memory_space<vmem_shared>>
      tpu.enqueue_dma source(%dma_start3A_131 : memref<640xf32, #tpu.memory_space<vmem_shared>>) target(%arg8 : memref<640xf32, #tpu.memory_space<vmem>>) target_semaphore(%run_scoped3A_128 : memref<!tpu.dma_semaphore, #tpu.memory_space<semaphore_mem>>)
      %dma_wait3A = tpu.memref_slice %arg9[%run_scoped3A_24, %mul3A_23] : memref<16x10240xf32, #tpu.memory_space<vmem_shared>> -> memref<1x640xf32, #tpu.memory_space<vmem_shared>>
      %dma_wait3A_132 = tpu.memref_squeeze %dma_wait3A : memref<1x640xf32, #tpu.memory_space<vmem_shared>> -> memref<640xf32, #tpu.memory_space<vmem_shared>>
      %dma_wait3A_133 = tpu.memref_slice %arg9[%run_scoped3A_24, %mul3A_23] : memref<16x10240xf32, #tpu.memory_space<vmem_shared>> -> memref<1x640xf32, #tpu.memory_space<vmem_shared>>
      %dma_wait3A_134 = tpu.memref_squeeze %dma_wait3A_133 : memref<1x640xf32, #tpu.memory_space<vmem_shared>> -> memref<640xf32, #tpu.memory_space<vmem_shared>>
      tpu.wait_dma2 semaphore(%run_scoped3A_128 : memref<!tpu.dma_semaphore, #tpu.memory_space<semaphore_mem>>) src(%dma_wait3A_134 : memref<640xf32, #tpu.memory_space<vmem_shared>>) dst(%arg8 : memref<640xf32, #tpu.memory_space<vmem>>)
      tpu.yield
    }) : () -> ()
    %scan3A_25 = arith.constant 0 : i32
    %scan3A_26 = arith.constant 40 : i32
    %scan3A_27 = arith.addi %scan3A_25, %scan3A_26 : i32
    %scan3A_28 = arith.constant 1 : i32
    scf.for %scan3A_128 = %scan3A_25 to %scan3A_27 step %scan3A_28  : i32 {
      %mul3A_129 = arith.constant 1 : i32
      %mul3A_130 = arith.muli %scan3A_128, %mul3A_129 : i32
      %add3A = arith.constant 0 : i32
      %add3A_131 = arith.addi %add3A, %mul3A_130 : i32
      %mul3A_132 = arith.constant 16 : i32
      %mul3A_133 = arith.muli %add3A_131, %mul3A_132 : i32
      %get3A = arith.index_cast %mul3A_133 : i32 to index
      %get3A_134 = tpu.vector_load %arg7[%get3A] {strides = array<i32>} : memref<640xf32, #tpu.memory_space<vmem>>, vector<16xf32>,
      %mul3A_135 = arith.constant 16 : i32
      %mul3A_136 = arith.muli %add3A_131, %mul3A_135 : i32
      %get3A_137 = arith.index_cast %mul3A_136 : i32 to index
      %get3A_138 = tpu.vector_load %arg8[%get3A_137] {strides = array<i32>} : memref<640xf32, #tpu.memory_space<vmem>>, vector<16xf32>,
      %add3A_139 = arith.addf %get3A_134, %get3A_138 : vector<16xf32>
      %mul3A_140 = arith.constant 16 : i32
      %mul3A_141 = arith.muli %add3A_131, %mul3A_140 : i32
      %swap3A = arith.index_cast %mul3A_141 : i32 to index
      %swap3A_142 = tpu.vector_load %arg7[%swap3A] {strides = array<i32>} : memref<640xf32, #tpu.memory_space<vmem>>, vector<16xf32>,
      tpu.vector_store %arg7[%swap3A], %add3A_139 {strides = array<i32>} : memref<640xf32, #tpu.memory_space<vmem>>, vector<16xf32>,
    }
    %scan3A_29 = arith.constant 40 : i32
    %mul3A_30 = arith.constant 640 : i32
    %mul3A_31 = arith.muli %arg1, %mul3A_30 : i32
    %run_scoped3A_32 = arith.constant 4 : i32
    "tpu.region"() ({
      %run_scoped3A_128 = tpu.sem_alloc : memref<!tpu.dma_semaphore, #tpu.memory_space<semaphore_mem>>
      %dma_start3A = tpu.memref_slice %arg9[%run_scoped3A_32, %mul3A_31] : memref<16x10240xf32, #tpu.memory_space<vmem_shared>> -> memref<1x640xf32, #tpu.memory_space<vmem_shared>>
      %dma_start3A_129 = tpu.memref_squeeze %dma_start3A : memref<1x640xf32, #tpu.memory_space<vmem_shared>> -> memref<640xf32, #tpu.memory_space<vmem_shared>>
      %dma_start3A_130 = tpu.memref_slice %arg9[%run_scoped3A_32, %mul3A_31] : memref<16x10240xf32, #tpu.memory_space<vmem_shared>> -> memref<1x640xf32, #tpu.memory_space<vmem_shared>>
      %dma_start3A_131 = tpu.memref_squeeze %dma_start3A_130 : memref<1x640xf32, #tpu.memory_space<vmem_shared>> -> memref<640xf32, #tpu.memory_space<vmem_shared>>
      tpu.enqueue_dma source(%dma_start3A_131 : memref<640xf32, #tpu.memory_space<vmem_shared>>) target(%arg8 : memref<640xf32, #tpu.memory_space<vmem>>) target_semaphore(%run_scoped3A_128 : memref<!tpu.dma_semaphore, #tpu.memory_space<semaphore_mem>>)
      %dma_wait3A = tpu.memref_slice %arg9[%run_scoped3A_32, %mul3A_31] : memref<16x10240xf32, #tpu.memory_space<vmem_shared>> -> memref<1x640xf32, #tpu.memory_space<vmem_shared>>
      %dma_wait3A_132 = tpu.memref_squeeze %dma_wait3A : memref<1x640xf32, #tpu.memory_space<vmem_shared>> -> memref<640xf32, #tpu.memory_space<vmem_shared>>
      %dma_wait3A_133 = tpu.memref_slice %arg9[%run_scoped3A_32, %mul3A_31] : memref<16x10240xf32, #tpu.memory_space<vmem_shared>> -> memref<1x640xf32, #tpu.memory_space<vmem_shared>>
      %dma_wait3A_134 = tpu.memref_squeeze %dma_wait3A_133 : memref<1x640xf32, #tpu.memory_space<vmem_shared>> -> memref<640xf32, #tpu.memory_space<vmem_shared>>
      tpu.wait_dma2 semaphore(%run_scoped3A_128 : memref<!tpu.dma_semaphore, #tpu.memory_space<semaphore_mem>>) src(%dma_wait3A_134 : memref<640xf32, #tpu.memory_space<vmem_shared>>) dst(%arg8 : memref<640xf32, #tpu.memory_space<vmem>>)
      tpu.yield
    }) : () -> ()
    %scan3A_33 = arith.constant 0 : i32
    %scan3A_34 = arith.constant 40 : i32
    %scan3A_35 = arith.addi %scan3A_33, %scan3A_34 : i32
    %scan3A_36 = arith.constant 1 : i32
    scf.for %scan3A_128 = %scan3A_33 to %scan3A_35 step %scan3A_36  : i32 {
      %mul3A_129 = arith.constant 1 : i32
      %mul3A_130 = arith.muli %scan3A_128, %mul3A_129 : i32
      %add3A = arith.constant 0 : i32
      %add3A_131 = arith.addi %add3A, %mul3A_130 : i32
      %mul3A_132 = arith.constant 16 : i32
      %mul3A_133 = arith.muli %add3A_131, %mul3A_132 : i32
      %get3A = arith.index_cast %mul3A_133 : i32 to index
      %get3A_134 = tpu.vector_load %arg7[%get3A] {strides = array<i32>} : memref<640xf32, #tpu.memory_space<vmem>>, vector<16xf32>,
      %mul3A_135 = arith.constant 16 : i32
      %mul3A_136 = arith.muli %add3A_131, %mul3A_135 : i32
      %get3A_137 = arith.index_cast %mul3A_136 : i32 to index
      %get3A_138 = tpu.vector_load %arg8[%get3A_137] {strides = array<i32>} : memref<640xf32, #tpu.memory_space<vmem>>, vector<16xf32>,
      %add3A_139 = arith.addf %get3A_134, %get3A_138 : vector<16xf32>
      %mul3A_140 = arith.constant 16 : i32
      %mul3A_141 = arith.muli %add3A_131, %mul3A_140 : i32
      %swap3A = arith.index_cast %mul3A_141 : i32 to index
      %swap3A_142 = tpu.vector_load %arg7[%swap3A] {strides = array<i32>} : memref<640xf32, #tpu.memory_space<vmem>>, vector<16xf32>,
      tpu.vector_store %arg7[%swap3A], %add3A_139 {strides = array<i32>} : memref<640xf32, #tpu.memory_space<vmem>>, vector<16xf32>,
    }
    %scan3A_37 = arith.constant 40 : i32
    %mul3A_38 = arith.constant 640 : i32
    %mul3A_39 = arith.muli %arg1, %mul3A_38 : i32
    %run_scoped3A_40 = arith.constant 5 : i32
    "tpu.region"() ({
      %run_scoped3A_128 = tpu.sem_alloc : memref<!tpu.dma_semaphore, #tpu.memory_space<semaphore_mem>>
      %dma_start3A = tpu.memref_slice %arg9[%run_scoped3A_40, %mul3A_39] : memref<16x10240xf32, #tpu.memory_space<vmem_shared>> -> memref<1x640xf32, #tpu.memory_space<vmem_shared>>
      %dma_start3A_129 = tpu.memref_squeeze %dma_start3A : memref<1x640xf32, #tpu.memory_space<vmem_shared>> -> memref<640xf32, #tpu.memory_space<vmem_shared>>
      %dma_start3A_130 = tpu.memref_slice %arg9[%run_scoped3A_40, %mul3A_39] : memref<16x10240xf32, #tpu.memory_space<vmem_shared>> -> memref<1x640xf32, #tpu.memory_space<vmem_shared>>
      %dma_start3A_131 = tpu.memref_squeeze %dma_start3A_130 : memref<1x640xf32, #tpu.memory_space<vmem_shared>> -> memref<640xf32, #tpu.memory_space<vmem_shared>>
      tpu.enqueue_dma source(%dma_start3A_131 : memref<640xf32, #tpu.memory_space<vmem_shared>>) target(%arg8 : memref<640xf32, #tpu.memory_space<vmem>>) target_semaphore(%run_scoped3A_128 : memref<!tpu.dma_semaphore, #tpu.memory_space<semaphore_mem>>)
      %dma_wait3A = tpu.memref_slice %arg9[%run_scoped3A_40, %mul3A_39] : memref<16x10240xf32, #tpu.memory_space<vmem_shared>> -> memref<1x640xf32, #tpu.memory_space<vmem_shared>>
      %dma_wait3A_132 = tpu.memref_squeeze %dma_wait3A : memref<1x640xf32, #tpu.memory_space<vmem_shared>> -> memref<640xf32, #tpu.memory_space<vmem_shared>>
      %dma_wait3A_133 = tpu.memref_slice %arg9[%run_scoped3A_40, %mul3A_39] : memref<16x10240xf32, #tpu.memory_space<vmem_shared>> -> memref<1x640xf32, #tpu.memory_space<vmem_shared>>
      %dma_wait3A_134 = tpu.memref_squeeze %dma_wait3A_133 : memref<1x640xf32, #tpu.memory_space<vmem_shared>> -> memref<640xf32, #tpu.memory_space<vmem_shared>>
      tpu.wait_dma2 semaphore(%run_scoped3A_128 : memref<!tpu.dma_semaphore, #tpu.memory_space<semaphore_mem>>) src(%dma_wait3A_134 : memref<640xf32, #tpu.memory_space<vmem_shared>>) dst(%arg8 : memref<640xf32, #tpu.memory_space<vmem>>)
      tpu.yield
    }) : () -> ()
    %scan3A_41 = arith.constant 0 : i32
    %scan3A_42 = arith.constant 40 : i32
    %scan3A_43 = arith.addi %scan3A_41, %scan3A_42 : i32
    %scan3A_44 = arith.constant 1 : i32
    scf.for %scan3A_128 = %scan3A_41 to %scan3A_43 step %scan3A_44  : i32 {
      %mul3A_129 = arith.constant 1 : i32
      %mul3A_130 = arith.muli %scan3A_128, %mul3A_129 : i32
      %add3A = arith.constant 0 : i32
      %add3A_131 = arith.addi %add3A, %mul3A_130 : i32
      %mul3A_132 = arith.constant 16 : i32
      %mul3A_133 = arith.muli %add3A_131, %mul3A_132 : i32
      %get3A = arith.index_cast %mul3A_133 : i32 to index
      %get3A_134 = tpu.vector_load %arg7[%get3A] {strides = array<i32>} : memref<640xf32, #tpu.memory_space<vmem>>, vector<16xf32>,
      %mul3A_135 = arith.constant 16 : i32
      %mul3A_136 = arith.muli %add3A_131, %mul3A_135 : i32
      %get3A_137 = arith.index_cast %mul3A_136 : i32 to index
      %get3A_138 = tpu.vector_load %arg8[%get3A_137] {strides = array<i32>} : memref<640xf32, #tpu.memory_space<vmem>>, vector<16xf32>,
      %add3A_139 = arith.addf %get3A_134, %get3A_138 : vector<16xf32>
      %mul3A_140 = arith.constant 16 : i32
      %mul3A_141 = arith.muli %add3A_131, %mul3A_140 : i32
      %swap3A = arith.index_cast %mul3A_141 : i32 to index
      %swap3A_142 = tpu.vector_load %arg7[%swap3A] {strides = array<i32>} : memref<640xf32, #tpu.memory_space<vmem>>, vector<16xf32>,
      tpu.vector_store %arg7[%swap3A], %add3A_139 {strides = array<i32>} : memref<640xf32, #tpu.memory_space<vmem>>, vector<16xf32>,
    }
    %scan3A_45 = arith.constant 40 : i32
    %mul3A_46 = arith.constant 640 : i32
    %mul3A_47 = arith.muli %arg1, %mul3A_46 : i32
    %run_scoped3A_48 = arith.constant 6 : i32
    "tpu.region"() ({
      %run_scoped3A_128 = tpu.sem_alloc : memref<!tpu.dma_semaphore, #tpu.memory_space<semaphore_mem>>
      %dma_start3A = tpu.memref_slice %arg9[%run_scoped3A_48, %mul3A_47] : memref<16x10240xf32, #tpu.memory_space<vmem_shared>> -> memref<1x640xf32, #tpu.memory_space<vmem_shared>>
      %dma_start3A_129 = tpu.memref_squeeze %dma_start3A : memref<1x640xf32, #tpu.memory_space<vmem_shared>> -> memref<640xf32, #tpu.memory_space<vmem_shared>>
      %dma_start3A_130 = tpu.memref_slice %arg9[%run_scoped3A_48, %mul3A_47] : memref<16x10240xf32, #tpu.memory_space<vmem_shared>> -> memref<1x640xf32, #tpu.memory_space<vmem_shared>>
      %dma_start3A_131 = tpu.memref_squeeze %dma_start3A_130 : memref<1x640xf32, #tpu.memory_space<vmem_shared>> -> memref<640xf32, #tpu.memory_space<vmem_shared>>
      tpu.enqueue_dma source(%dma_start3A_131 : memref<640xf32, #tpu.memory_space<vmem_shared>>) target(%arg8 : memref<640xf32, #tpu.memory_space<vmem>>) target_semaphore(%run_scoped3A_128 : memref<!tpu.dma_semaphore, #tpu.memory_space<semaphore_mem>>)
      %dma_wait3A = tpu.memref_slice %arg9[%run_scoped3A_48, %mul3A_47] : memref<16x10240xf32, #tpu.memory_space<vmem_shared>> -> memref<1x640xf32, #tpu.memory_space<vmem_shared>>
      %dma_wait3A_132 = tpu.memref_squeeze %dma_wait3A : memref<1x640xf32, #tpu.memory_space<vmem_shared>> -> memref<640xf32, #tpu.memory_space<vmem_shared>>
      %dma_wait3A_133 = tpu.memref_slice %arg9[%run_scoped3A_48, %mul3A_47] : memref<16x10240xf32, #tpu.memory_space<vmem_shared>> -> memref<1x640xf32, #tpu.memory_space<vmem_shared>>
      %dma_wait3A_134 = tpu.memref_squeeze %dma_wait3A_133 : memref<1x640xf32, #tpu.memory_space<vmem_shared>> -> memref<640xf32, #tpu.memory_space<vmem_shared>>
      tpu.wait_dma2 semaphore(%run_scoped3A_128 : memref<!tpu.dma_semaphore, #tpu.memory_space<semaphore_mem>>) src(%dma_wait3A_134 : memref<640xf32, #tpu.memory_space<vmem_shared>>) dst(%arg8 : memref<640xf32, #tpu.memory_space<vmem>>)
      tpu.yield
    }) : () -> ()
    %scan3A_49 = arith.constant 0 : i32
    %scan3A_50 = arith.constant 40 : i32
    %scan3A_51 = arith.addi %scan3A_49, %scan3A_50 : i32
    %scan3A_52 = arith.constant 1 : i32
    scf.for %scan3A_128 = %scan3A_49 to %scan3A_51 step %scan3A_52  : i32 {
      %mul3A_129 = arith.constant 1 : i32
      %mul3A_130 = arith.muli %scan3A_128, %mul3A_129 : i32
      %add3A = arith.constant 0 : i32
      %add3A_131 = arith.addi %add3A, %mul3A_130 : i32
      %mul3A_132 = arith.constant 16 : i32
      %mul3A_133 = arith.muli %add3A_131, %mul3A_132 : i32
      %get3A = arith.index_cast %mul3A_133 : i32 to index
      %get3A_134 = tpu.vector_load %arg7[%get3A] {strides = array<i32>} : memref<640xf32, #tpu.memory_space<vmem>>, vector<16xf32>,
      %mul3A_135 = arith.constant 16 : i32
      %mul3A_136 = arith.muli %add3A_131, %mul3A_135 : i32
      %get3A_137 = arith.index_cast %mul3A_136 : i32 to index
      %get3A_138 = tpu.vector_load %arg8[%get3A_137] {strides = array<i32>} : memref<640xf32, #tpu.memory_space<vmem>>, vector<16xf32>,
      %add3A_139 = arith.addf %get3A_134, %get3A_138 : vector<16xf32>
      %mul3A_140 = arith.constant 16 : i32
      %mul3A_141 = arith.muli %add3A_131, %mul3A_140 : i32
      %swap3A = arith.index_cast %mul3A_141 : i32 to index
      %swap3A_142 = tpu.vector_load %arg7[%swap3A] {strides = array<i32>} : memref<640xf32, #tpu.memory_space<vmem>>, vector<16xf32>,
      tpu.vector_store %arg7[%swap3A], %add3A_139 {strides = array<i32>} : memref<640xf32, #tpu.memory_space<vmem>>, vector<16xf32>,
    }
    %scan3A_53 = arith.constant 40 : i32
    %mul3A_54 = arith.constant 640 : i32
    %mul3A_55 = arith.muli %arg1, %mul3A_54 : i32
    %run_scoped3A_56 = arith.constant 7 : i32
    "tpu.region"() ({
      %run_scoped3A_128 = tpu.sem_alloc : memref<!tpu.dma_semaphore, #tpu.memory_space<semaphore_mem>>
      %dma_start3A = tpu.memref_slice %arg9[%run_scoped3A_56, %mul3A_55] : memref<16x10240xf32, #tpu.memory_space<vmem_shared>> -> memref<1x640xf32, #tpu.memory_space<vmem_shared>>
      %dma_start3A_129 = tpu.memref_squeeze %dma_start3A : memref<1x640xf32, #tpu.memory_space<vmem_shared>> -> memref<640xf32, #tpu.memory_space<vmem_shared>>
      %dma_start3A_130 = tpu.memref_slice %arg9[%run_scoped3A_56, %mul3A_55] : memref<16x10240xf32, #tpu.memory_space<vmem_shared>> -> memref<1x640xf32, #tpu.memory_space<vmem_shared>>
      %dma_start3A_131 = tpu.memref_squeeze %dma_start3A_130 : memref<1x640xf32, #tpu.memory_space<vmem_shared>> -> memref<640xf32, #tpu.memory_space<vmem_shared>>
      tpu.enqueue_dma source(%dma_start3A_131 : memref<640xf32, #tpu.memory_space<vmem_shared>>) target(%arg8 : memref<640xf32, #tpu.memory_space<vmem>>) target_semaphore(%run_scoped3A_128 : memref<!tpu.dma_semaphore, #tpu.memory_space<semaphore_mem>>)
      %dma_wait3A = tpu.memref_slice %arg9[%run_scoped3A_56, %mul3A_55] : memref<16x10240xf32, #tpu.memory_space<vmem_shared>> -> memref<1x640xf32, #tpu.memory_space<vmem_shared>>
      %dma_wait3A_132 = tpu.memref_squeeze %dma_wait3A : memref<1x640xf32, #tpu.memory_space<vmem_shared>> -> memref<640xf32, #tpu.memory_space<vmem_shared>>
      %dma_wait3A_133 = tpu.memref_slice %arg9[%run_scoped3A_56, %mul3A_55] : memref<16x10240xf32, #tpu.memory_space<vmem_shared>> -> memref<1x640xf32, #tpu.memory_space<vmem_shared>>
      %dma_wait3A_134 = tpu.memref_squeeze %dma_wait3A_133 : memref<1x640xf32, #tpu.memory_space<vmem_shared>> -> memref<640xf32, #tpu.memory_space<vmem_shared>>
      tpu.wait_dma2 semaphore(%run_scoped3A_128 : memref<!tpu.dma_semaphore, #tpu.memory_space<semaphore_mem>>) src(%dma_wait3A_134 : memref<640xf32, #tpu.memory_space<vmem_shared>>) dst(%arg8 : memref<640xf32, #tpu.memory_space<vmem>>)
      tpu.yield
    }) : () -> ()
    %scan3A_57 = arith.constant 0 : i32
    %scan3A_58 = arith.constant 40 : i32
    %scan3A_59 = arith.addi %scan3A_57, %scan3A_58 : i32
    %scan3A_60 = arith.constant 1 : i32
    scf.for %scan3A_128 = %scan3A_57 to %scan3A_59 step %scan3A_60  : i32 {
      %mul3A_129 = arith.constant 1 : i32
      %mul3A_130 = arith.muli %scan3A_128, %mul3A_129 : i32
      %add3A = arith.constant 0 : i32
      %add3A_131 = arith.addi %add3A, %mul3A_130 : i32
      %mul3A_132 = arith.constant 16 : i32
      %mul3A_133 = arith.muli %add3A_131, %mul3A_132 : i32
      %get3A = arith.index_cast %mul3A_133 : i32 to index
      %get3A_134 = tpu.vector_load %arg7[%get3A] {strides = array<i32>} : memref<640xf32, #tpu.memory_space<vmem>>, vector<16xf32>,
      %mul3A_135 = arith.constant 16 : i32
      %mul3A_136 = arith.muli %add3A_131, %mul3A_135 : i32
      %get3A_137 = arith.index_cast %mul3A_136 : i32 to index
      %get3A_138 = tpu.vector_load %arg8[%get3A_137] {strides = array<i32>} : memref<640xf32, #tpu.memory_space<vmem>>, vector<16xf32>,
      %add3A_139 = arith.addf %get3A_134, %get3A_138 : vector<16xf32>
      %mul3A_140 = arith.constant 16 : i32
      %mul3A_141 = arith.muli %add3A_131, %mul3A_140 : i32
      %swap3A = arith.index_cast %mul3A_141 : i32 to index
      %swap3A_142 = tpu.vector_load %arg7[%swap3A] {strides = array<i32>} : memref<640xf32, #tpu.memory_space<vmem>>, vector<16xf32>,
      tpu.vector_store %arg7[%swap3A], %add3A_139 {strides = array<i32>} : memref<640xf32, #tpu.memory_space<vmem>>, vector<16xf32>,
    }
    %scan3A_61 = arith.constant 40 : i32
    %mul3A_62 = arith.constant 640 : i32
    %mul3A_63 = arith.muli %arg1, %mul3A_62 : i32
    %run_scoped3A_64 = arith.constant 8 : i32
    "tpu.region"() ({
      %run_scoped3A_128 = tpu.sem_alloc : memref<!tpu.dma_semaphore, #tpu.memory_space<semaphore_mem>>
      %dma_start3A = tpu.memref_slice %arg9[%run_scoped3A_64, %mul3A_63] : memref<16x10240xf32, #tpu.memory_space<vmem_shared>> -> memref<1x640xf32, #tpu.memory_space<vmem_shared>>
      %dma_start3A_129 = tpu.memref_squeeze %dma_start3A : memref<1x640xf32, #tpu.memory_space<vmem_shared>> -> memref<640xf32, #tpu.memory_space<vmem_shared>>
      %dma_start3A_130 = tpu.memref_slice %arg9[%run_scoped3A_64, %mul3A_63] : memref<16x10240xf32, #tpu.memory_space<vmem_shared>> -> memref<1x640xf32, #tpu.memory_space<vmem_shared>>
      %dma_start3A_131 = tpu.memref_squeeze %dma_start3A_130 : memref<1x640xf32, #tpu.memory_space<vmem_shared>> -> memref<640xf32, #tpu.memory_space<vmem_shared>>
      tpu.enqueue_dma source(%dma_start3A_131 : memref<640xf32, #tpu.memory_space<vmem_shared>>) target(%arg8 : memref<640xf32, #tpu.memory_space<vmem>>) target_semaphore(%run_scoped3A_128 : memref<!tpu.dma_semaphore, #tpu.memory_space<semaphore_mem>>)
      %dma_wait3A = tpu.memref_slice %arg9[%run_scoped3A_64, %mul3A_63] : memref<16x10240xf32, #tpu.memory_space<vmem_shared>> -> memref<1x640xf32, #tpu.memory_space<vmem_shared>>
      %dma_wait3A_132 = tpu.memref_squeeze %dma_wait3A : memref<1x640xf32, #tpu.memory_space<vmem_shared>> -> memref<640xf32, #tpu.memory_space<vmem_shared>>
      %dma_wait3A_133 = tpu.memref_slice %arg9[%run_scoped3A_64, %mul3A_63] : memref<16x10240xf32, #tpu.memory_space<vmem_shared>> -> memref<1x640xf32, #tpu.memory_space<vmem_shared>>
      %dma_wait3A_134 = tpu.memref_squeeze %dma_wait3A_133 : memref<1x640xf32, #tpu.memory_space<vmem_shared>> -> memref<640xf32, #tpu.memory_space<vmem_shared>>
      tpu.wait_dma2 semaphore(%run_scoped3A_128 : memref<!tpu.dma_semaphore, #tpu.memory_space<semaphore_mem>>) src(%dma_wait3A_134 : memref<640xf32, #tpu.memory_space<vmem_shared>>) dst(%arg8 : memref<640xf32, #tpu.memory_space<vmem>>)
      tpu.yield
    }) : () -> ()
    %scan3A_65 = arith.constant 0 : i32
    %scan3A_66 = arith.constant 40 : i32
    %scan3A_67 = arith.addi %scan3A_65, %scan3A_66 : i32
    %scan3A_68 = arith.constant 1 : i32
    scf.for %scan3A_128 = %scan3A_65 to %scan3A_67 step %scan3A_68  : i32 {
      %mul3A_129 = arith.constant 1 : i32
      %mul3A_130 = arith.muli %scan3A_128, %mul3A_129 : i32
      %add3A = arith.constant 0 : i32
      %add3A_131 = arith.addi %add3A, %mul3A_130 : i32
      %mul3A_132 = arith.constant 16 : i32
      %mul3A_133 = arith.muli %add3A_131, %mul3A_132 : i32
      %get3A = arith.index_cast %mul3A_133 : i32 to index
      %get3A_134 = tpu.vector_load %arg7[%get3A] {strides = array<i32>} : memref<640xf32, #tpu.memory_space<vmem>>, vector<16xf32>,
      %mul3A_135 = arith.constant 16 : i32
      %mul3A_136 = arith.muli %add3A_131, %mul3A_135 : i32
      %get3A_137 = arith.index_cast %mul3A_136 : i32 to index
      %get3A_138 = tpu.vector_load %arg8[%get3A_137] {strides = array<i32>} : memref<640xf32, #tpu.memory_space<vmem>>, vector<16xf32>,
      %add3A_139 = arith.addf %get3A_134, %get3A_138 : vector<16xf32>
      %mul3A_140 = arith.constant 16 : i32
      %mul3A_141 = arith.muli %add3A_131, %mul3A_140 : i32
      %swap3A = arith.index_cast %mul3A_141 : i32 to index
      %swap3A_142 = tpu.vector_load %arg7[%swap3A] {strides = array<i32>} : memref<640xf32, #tpu.memory_space<vmem>>, vector<16xf32>,
      tpu.vector_store %arg7[%swap3A], %add3A_139 {strides = array<i32>} : memref<640xf32, #tpu.memory_space<vmem>>, vector<16xf32>,
    }
    %scan3A_69 = arith.constant 40 : i32
    %mul3A_70 = arith.constant 640 : i32
    %mul3A_71 = arith.muli %arg1, %mul3A_70 : i32
    %run_scoped3A_72 = arith.constant 9 : i32
    "tpu.region"() ({
      %run_scoped3A_128 = tpu.sem_alloc : memref<!tpu.dma_semaphore, #tpu.memory_space<semaphore_mem>>
      %dma_start3A = tpu.memref_slice %arg9[%run_scoped3A_72, %mul3A_71] : memref<16x10240xf32, #tpu.memory_space<vmem_shared>> -> memref<1x640xf32, #tpu.memory_space<vmem_shared>>
      %dma_start3A_129 = tpu.memref_squeeze %dma_start3A : memref<1x640xf32, #tpu.memory_space<vmem_shared>> -> memref<640xf32, #tpu.memory_space<vmem_shared>>
      %dma_start3A_130 = tpu.memref_slice %arg9[%run_scoped3A_72, %mul3A_71] : memref<16x10240xf32, #tpu.memory_space<vmem_shared>> -> memref<1x640xf32, #tpu.memory_space<vmem_shared>>
      %dma_start3A_131 = tpu.memref_squeeze %dma_start3A_130 : memref<1x640xf32, #tpu.memory_space<vmem_shared>> -> memref<640xf32, #tpu.memory_space<vmem_shared>>
      tpu.enqueue_dma source(%dma_start3A_131 : memref<640xf32, #tpu.memory_space<vmem_shared>>) target(%arg8 : memref<640xf32, #tpu.memory_space<vmem>>) target_semaphore(%run_scoped3A_128 : memref<!tpu.dma_semaphore, #tpu.memory_space<semaphore_mem>>)
      %dma_wait3A = tpu.memref_slice %arg9[%run_scoped3A_72, %mul3A_71] : memref<16x10240xf32, #tpu.memory_space<vmem_shared>> -> memref<1x640xf32, #tpu.memory_space<vmem_shared>>
      %dma_wait3A_132 = tpu.memref_squeeze %dma_wait3A : memref<1x640xf32, #tpu.memory_space<vmem_shared>> -> memref<640xf32, #tpu.memory_space<vmem_shared>>
      %dma_wait3A_133 = tpu.memref_slice %arg9[%run_scoped3A_72, %mul3A_71] : memref<16x10240xf32, #tpu.memory_space<vmem_shared>> -> memref<1x640xf32, #tpu.memory_space<vmem_shared>>
      %dma_wait3A_134 = tpu.memref_squeeze %dma_wait3A_133 : memref<1x640xf32, #tpu.memory_space<vmem_shared>> -> memref<640xf32, #tpu.memory_space<vmem_shared>>
      tpu.wait_dma2 semaphore(%run_scoped3A_128 : memref<!tpu.dma_semaphore, #tpu.memory_space<semaphore_mem>>) src(%dma_wait3A_134 : memref<640xf32, #tpu.memory_space<vmem_shared>>) dst(%arg8 : memref<640xf32, #tpu.memory_space<vmem>>)
      tpu.yield
    }) : () -> ()
    %scan3A_73 = arith.constant 0 : i32
    %scan3A_74 = arith.constant 40 : i32
    %scan3A_75 = arith.addi %scan3A_73, %scan3A_74 : i32
    %scan3A_76 = arith.constant 1 : i32
    scf.for %scan3A_128 = %scan3A_73 to %scan3A_75 step %scan3A_76  : i32 {
      %mul3A_129 = arith.constant 1 : i32
      %mul3A_130 = arith.muli %scan3A_128, %mul3A_129 : i32
      %add3A = arith.constant 0 : i32
      %add3A_131 = arith.addi %add3A, %mul3A_130 : i32
      %mul3A_132 = arith.constant 16 : i32
      %mul3A_133 = arith.muli %add3A_131, %mul3A_132 : i32
      %get3A = arith.index_cast %mul3A_133 : i32 to index
      %get3A_134 = tpu.vector_load %arg7[%get3A] {strides = array<i32>} : memref<640xf32, #tpu.memory_space<vmem>>, vector<16xf32>,
      %mul3A_135 = arith.constant 16 : i32
      %mul3A_136 = arith.muli %add3A_131, %mul3A_135 : i32
      %get3A_137 = arith.index_cast %mul3A_136 : i32 to index
      %get3A_138 = tpu.vector_load %arg8[%get3A_137] {strides = array<i32>} : memref<640xf32, #tpu.memory_space<vmem>>, vector<16xf32>,
      %add3A_139 = arith.addf %get3A_134, %get3A_138 : vector<16xf32>
      %mul3A_140 = arith.constant 16 : i32
      %mul3A_141 = arith.muli %add3A_131, %mul3A_140 : i32
      %swap3A = arith.index_cast %mul3A_141 : i32 to index
      %swap3A_142 = tpu.vector_load %arg7[%swap3A] {strides = array<i32>} : memref<640xf32, #tpu.memory_space<vmem>>, vector<16xf32>,
      tpu.vector_store %arg7[%swap3A], %add3A_139 {strides = array<i32>} : memref<640xf32, #tpu.memory_space<vmem>>, vector<16xf32>,
    }
    %scan3A_77 = arith.constant 40 : i32
    %mul3A_78 = arith.constant 640 : i32
    %mul3A_79 = arith.muli %arg1, %mul3A_78 : i32
    %run_scoped3A_80 = arith.constant 10 : i32
    "tpu.region"() ({
      %run_scoped3A_128 = tpu.sem_alloc : memref<!tpu.dma_semaphore, #tpu.memory_space<semaphore_mem>>
      %dma_start3A = tpu.memref_slice %arg9[%run_scoped3A_80, %mul3A_79] : memref<16x10240xf32, #tpu.memory_space<vmem_shared>> -> memref<1x640xf32, #tpu.memory_space<vmem_shared>>
      %dma_start3A_129 = tpu.memref_squeeze %dma_start3A : memref<1x640xf32, #tpu.memory_space<vmem_shared>> -> memref<640xf32, #tpu.memory_space<vmem_shared>>
      %dma_start3A_130 = tpu.memref_slice %arg9[%run_scoped3A_80, %mul3A_79] : memref<16x10240xf32, #tpu.memory_space<vmem_shared>> -> memref<1x640xf32, #tpu.memory_space<vmem_shared>>
      %dma_start3A_131 = tpu.memref_squeeze %dma_start3A_130 : memref<1x640xf32, #tpu.memory_space<vmem_shared>> -> memref<640xf32, #tpu.memory_space<vmem_shared>>
      tpu.enqueue_dma source(%dma_start3A_131 : memref<640xf32, #tpu.memory_space<vmem_shared>>) target(%arg8 : memref<640xf32, #tpu.memory_space<vmem>>) target_semaphore(%run_scoped3A_128 : memref<!tpu.dma_semaphore, #tpu.memory_space<semaphore_mem>>)
      %dma_wait3A = tpu.memref_slice %arg9[%run_scoped3A_80, %mul3A_79] : memref<16x10240xf32, #tpu.memory_space<vmem_shared>> -> memref<1x640xf32, #tpu.memory_space<vmem_shared>>
      %dma_wait3A_132 = tpu.memref_squeeze %dma_wait3A : memref<1x640xf32, #tpu.memory_space<vmem_shared>> -> memref<640xf32, #tpu.memory_space<vmem_shared>>
      %dma_wait3A_133 = tpu.memref_slice %arg9[%run_scoped3A_80, %mul3A_79] : memref<16x10240xf32, #tpu.memory_space<vmem_shared>> -> memref<1x640xf32, #tpu.memory_space<vmem_shared>>
      %dma_wait3A_134 = tpu.memref_squeeze %dma_wait3A_133 : memref<1x640xf32, #tpu.memory_space<vmem_shared>> -> memref<640xf32, #tpu.memory_space<vmem_shared>>
      tpu.wait_dma2 semaphore(%run_scoped3A_128 : memref<!tpu.dma_semaphore, #tpu.memory_space<semaphore_mem>>) src(%dma_wait3A_134 : memref<640xf32, #tpu.memory_space<vmem_shared>>) dst(%arg8 : memref<640xf32, #tpu.memory_space<vmem>>)
      tpu.yield
    }) : () -> ()
    %scan3A_81 = arith.constant 0 : i32
    %scan3A_82 = arith.constant 40 : i32
    %scan3A_83 = arith.addi %scan3A_81, %scan3A_82 : i32
    %scan3A_84 = arith.constant 1 : i32
    scf.for %scan3A_128 = %scan3A_81 to %scan3A_83 step %scan3A_84  : i32 {
      %mul3A_129 = arith.constant 1 : i32
      %mul3A_130 = arith.muli %scan3A_128, %mul3A_129 : i32
      %add3A = arith.constant 0 : i32
      %add3A_131 = arith.addi %add3A, %mul3A_130 : i32
      %mul3A_132 = arith.constant 16 : i32
      %mul3A_133 = arith.muli %add3A_131, %mul3A_132 : i32
      %get3A = arith.index_cast %mul3A_133 : i32 to index
      %get3A_134 = tpu.vector_load %arg7[%get3A] {strides = array<i32>} : memref<640xf32, #tpu.memory_space<vmem>>, vector<16xf32>,
      %mul3A_135 = arith.constant 16 : i32
      %mul3A_136 = arith.muli %add3A_131, %mul3A_135 : i32
      %get3A_137 = arith.index_cast %mul3A_136 : i32 to index
      %get3A_138 = tpu.vector_load %arg8[%get3A_137] {strides = array<i32>} : memref<640xf32, #tpu.memory_space<vmem>>, vector<16xf32>,
      %add3A_139 = arith.addf %get3A_134, %get3A_138 : vector<16xf32>
      %mul3A_140 = arith.constant 16 : i32
      %mul3A_141 = arith.muli %add3A_131, %mul3A_140 : i32
      %swap3A = arith.index_cast %mul3A_141 : i32 to index
      %swap3A_142 = tpu.vector_load %arg7[%swap3A] {strides = array<i32>} : memref<640xf32, #tpu.memory_space<vmem>>, vector<16xf32>,
      tpu.vector_store %arg7[%swap3A], %add3A_139 {strides = array<i32>} : memref<640xf32, #tpu.memory_space<vmem>>, vector<16xf32>,
    }
    %scan3A_85 = arith.constant 40 : i32
    %mul3A_86 = arith.constant 640 : i32
    %mul3A_87 = arith.muli %arg1, %mul3A_86 : i32
    %run_scoped3A_88 = arith.constant 11 : i32
    "tpu.region"() ({
      %run_scoped3A_128 = tpu.sem_alloc : memref<!tpu.dma_semaphore, #tpu.memory_space<semaphore_mem>>
      %dma_start3A = tpu.memref_slice %arg9[%run_scoped3A_88, %mul3A_87] : memref<16x10240xf32, #tpu.memory_space<vmem_shared>> -> memref<1x640xf32, #tpu.memory_space<vmem_shared>>
      %dma_start3A_129 = tpu.memref_squeeze %dma_start3A : memref<1x640xf32, #tpu.memory_space<vmem_shared>> -> memref<640xf32, #tpu.memory_space<vmem_shared>>
      %dma_start3A_130 = tpu.memref_slice %arg9[%run_scoped3A_88, %mul3A_87] : memref<16x10240xf32, #tpu.memory_space<vmem_shared>> -> memref<1x640xf32, #tpu.memory_space<vmem_shared>>
      %dma_start3A_131 = tpu.memref_squeeze %dma_start3A_130 : memref<1x640xf32, #tpu.memory_space<vmem_shared>> -> memref<640xf32, #tpu.memory_space<vmem_shared>>
      tpu.enqueue_dma source(%dma_start3A_131 : memref<640xf32, #tpu.memory_space<vmem_shared>>) target(%arg8 : memref<640xf32, #tpu.memory_space<vmem>>) target_semaphore(%run_scoped3A_128 : memref<!tpu.dma_semaphore, #tpu.memory_space<semaphore_mem>>)
      %dma_wait3A = tpu.memref_slice %arg9[%run_scoped3A_88, %mul3A_87] : memref<16x10240xf32, #tpu.memory_space<vmem_shared>> -> memref<1x640xf32, #tpu.memory_space<vmem_shared>>
      %dma_wait3A_132 = tpu.memref_squeeze %dma_wait3A : memref<1x640xf32, #tpu.memory_space<vmem_shared>> -> memref<640xf32, #tpu.memory_space<vmem_shared>>
      %dma_wait3A_133 = tpu.memref_slice %arg9[%run_scoped3A_88, %mul3A_87] : memref<16x10240xf32, #tpu.memory_space<vmem_shared>> -> memref<1x640xf32, #tpu.memory_space<vmem_shared>>
      %dma_wait3A_134 = tpu.memref_squeeze %dma_wait3A_133 : memref<1x640xf32, #tpu.memory_space<vmem_shared>> -> memref<640xf32, #tpu.memory_space<vmem_shared>>
      tpu.wait_dma2 semaphore(%run_scoped3A_128 : memref<!tpu.dma_semaphore, #tpu.memory_space<semaphore_mem>>) src(%dma_wait3A_134 : memref<640xf32, #tpu.memory_space<vmem_shared>>) dst(%arg8 : memref<640xf32, #tpu.memory_space<vmem>>)
      tpu.yield
    }) : () -> ()
    %scan3A_89 = arith.constant 0 : i32
    %scan3A_90 = arith.constant 40 : i32
    %scan3A_91 = arith.addi %scan3A_89, %scan3A_90 : i32
    %scan3A_92 = arith.constant 1 : i32
    scf.for %scan3A_128 = %scan3A_89 to %scan3A_91 step %scan3A_92  : i32 {
      %mul3A_129 = arith.constant 1 : i32
      %mul3A_130 = arith.muli %scan3A_128, %mul3A_129 : i32
      %add3A = arith.constant 0 : i32
      %add3A_131 = arith.addi %add3A, %mul3A_130 : i32
      %mul3A_132 = arith.constant 16 : i32
      %mul3A_133 = arith.muli %add3A_131, %mul3A_132 : i32
      %get3A = arith.index_cast %mul3A_133 : i32 to index
      %get3A_134 = tpu.vector_load %arg7[%get3A] {strides = array<i32>} : memref<640xf32, #tpu.memory_space<vmem>>, vector<16xf32>,
      %mul3A_135 = arith.constant 16 : i32
      %mul3A_136 = arith.muli %add3A_131, %mul3A_135 : i32
      %get3A_137 = arith.index_cast %mul3A_136 : i32 to index
      %get3A_138 = tpu.vector_load %arg8[%get3A_137] {strides = array<i32>} : memref<640xf32, #tpu.memory_space<vmem>>, vector<16xf32>,
      %add3A_139 = arith.addf %get3A_134, %get3A_138 : vector<16xf32>
      %mul3A_140 = arith.constant 16 : i32
      %mul3A_141 = arith.muli %add3A_131, %mul3A_140 : i32
      %swap3A = arith.index_cast %mul3A_141 : i32 to index
      %swap3A_142 = tpu.vector_load %arg7[%swap3A] {strides = array<i32>} : memref<640xf32, #tpu.memory_space<vmem>>, vector<16xf32>,
      tpu.vector_store %arg7[%swap3A], %add3A_139 {strides = array<i32>} : memref<640xf32, #tpu.memory_space<vmem>>, vector<16xf32>,
    }
    %scan3A_93 = arith.constant 40 : i32
    %mul3A_94 = arith.constant 640 : i32
    %mul3A_95 = arith.muli %arg1, %mul3A_94 : i32
    %run_scoped3A_96 = arith.constant 12 : i32
    "tpu.region"() ({
      %run_scoped3A_128 = tpu.sem_alloc : memref<!tpu.dma_semaphore, #tpu.memory_space<semaphore_mem>>
      %dma_start3A = tpu.memref_slice %arg9[%run_scoped3A_96, %mul3A_95] : memref<16x10240xf32, #tpu.memory_space<vmem_shared>> -> memref<1x640xf32, #tpu.memory_space<vmem_shared>>
      %dma_start3A_129 = tpu.memref_squeeze %dma_start3A : memref<1x640xf32, #tpu.memory_space<vmem_shared>> -> memref<640xf32, #tpu.memory_space<vmem_shared>>
      %dma_start3A_130 = tpu.memref_slice %arg9[%run_scoped3A_96, %mul3A_95] : memref<16x10240xf32, #tpu.memory_space<vmem_shared>> -> memref<1x640xf32, #tpu.memory_space<vmem_shared>>
      %dma_start3A_131 = tpu.memref_squeeze %dma_start3A_130 : memref<1x640xf32, #tpu.memory_space<vmem_shared>> -> memref<640xf32, #tpu.memory_space<vmem_shared>>
      tpu.enqueue_dma source(%dma_start3A_131 : memref<640xf32, #tpu.memory_space<vmem_shared>>) target(%arg8 : memref<640xf32, #tpu.memory_space<vmem>>) target_semaphore(%run_scoped3A_128 : memref<!tpu.dma_semaphore, #tpu.memory_space<semaphore_mem>>)
      %dma_wait3A = tpu.memref_slice %arg9[%run_scoped3A_96, %mul3A_95] : memref<16x10240xf32, #tpu.memory_space<vmem_shared>> -> memref<1x640xf32, #tpu.memory_space<vmem_shared>>
      %dma_wait3A_132 = tpu.memref_squeeze %dma_wait3A : memref<1x640xf32, #tpu.memory_space<vmem_shared>> -> memref<640xf32, #tpu.memory_space<vmem_shared>>
      %dma_wait3A_133 = tpu.memref_slice %arg9[%run_scoped3A_96, %mul3A_95] : memref<16x10240xf32, #tpu.memory_space<vmem_shared>> -> memref<1x640xf32, #tpu.memory_space<vmem_shared>>
      %dma_wait3A_134 = tpu.memref_squeeze %dma_wait3A_133 : memref<1x640xf32, #tpu.memory_space<vmem_shared>> -> memref<640xf32, #tpu.memory_space<vmem_shared>>
      tpu.wait_dma2 semaphore(%run_scoped3A_128 : memref<!tpu.dma_semaphore, #tpu.memory_space<semaphore_mem>>) src(%dma_wait3A_134 : memref<640xf32, #tpu.memory_space<vmem_shared>>) dst(%arg8 : memref<640xf32, #tpu.memory_space<vmem>>)
      tpu.yield
    }) : () -> ()
    %scan3A_97 = arith.constant 0 : i32
    %scan3A_98 = arith.constant 40 : i32
    %scan3A_99 = arith.addi %scan3A_97, %scan3A_98 : i32
    %scan3A_100 = arith.constant 1 : i32
    scf.for %scan3A_128 = %scan3A_97 to %scan3A_99 step %scan3A_100  : i32 {
      %mul3A_129 = arith.constant 1 : i32
      %mul3A_130 = arith.muli %scan3A_128, %mul3A_129 : i32
      %add3A = arith.constant 0 : i32
      %add3A_131 = arith.addi %add3A, %mul3A_130 : i32
      %mul3A_132 = arith.constant 16 : i32
      %mul3A_133 = arith.muli %add3A_131, %mul3A_132 : i32
      %get3A = arith.index_cast %mul3A_133 : i32 to index
      %get3A_134 = tpu.vector_load %arg7[%get3A] {strides = array<i32>} : memref<640xf32, #tpu.memory_space<vmem>>, vector<16xf32>,
      %mul3A_135 = arith.constant 16 : i32
      %mul3A_136 = arith.muli %add3A_131, %mul3A_135 : i32
      %get3A_137 = arith.index_cast %mul3A_136 : i32 to index
      %get3A_138 = tpu.vector_load %arg8[%get3A_137] {strides = array<i32>} : memref<640xf32, #tpu.memory_space<vmem>>, vector<16xf32>,
      %add3A_139 = arith.addf %get3A_134, %get3A_138 : vector<16xf32>
      %mul3A_140 = arith.constant 16 : i32
      %mul3A_141 = arith.muli %add3A_131, %mul3A_140 : i32
      %swap3A = arith.index_cast %mul3A_141 : i32 to index
      %swap3A_142 = tpu.vector_load %arg7[%swap3A] {strides = array<i32>} : memref<640xf32, #tpu.memory_space<vmem>>, vector<16xf32>,
      tpu.vector_store %arg7[%swap3A], %add3A_139 {strides = array<i32>} : memref<640xf32, #tpu.memory_space<vmem>>, vector<16xf32>,
    }
    %scan3A_101 = arith.constant 40 : i32
    %mul3A_102 = arith.constant 640 : i32
    %mul3A_103 = arith.muli %arg1, %mul3A_102 : i32
    %run_scoped3A_104 = arith.constant 13 : i32
    "tpu.region"() ({
      %run_scoped3A_128 = tpu.sem_alloc : memref<!tpu.dma_semaphore, #tpu.memory_space<semaphore_mem>>
      %dma_start3A = tpu.memref_slice %arg9[%run_scoped3A_104, %mul3A_103] : memref<16x10240xf32, #tpu.memory_space<vmem_shared>> -> memref<1x640xf32, #tpu.memory_space<vmem_shared>>
      %dma_start3A_129 = tpu.memref_squeeze %dma_start3A : memref<1x640xf32, #tpu.memory_space<vmem_shared>> -> memref<640xf32, #tpu.memory_space<vmem_shared>>
      %dma_start3A_130 = tpu.memref_slice %arg9[%run_scoped3A_104, %mul3A_103] : memref<16x10240xf32, #tpu.memory_space<vmem_shared>> -> memref<1x640xf32, #tpu.memory_space<vmem_shared>>
      %dma_start3A_131 = tpu.memref_squeeze %dma_start3A_130 : memref<1x640xf32, #tpu.memory_space<vmem_shared>> -> memref<640xf32, #tpu.memory_space<vmem_shared>>
      tpu.enqueue_dma source(%dma_start3A_131 : memref<640xf32, #tpu.memory_space<vmem_shared>>) target(%arg8 : memref<640xf32, #tpu.memory_space<vmem>>) target_semaphore(%run_scoped3A_128 : memref<!tpu.dma_semaphore, #tpu.memory_space<semaphore_mem>>)
      %dma_wait3A = tpu.memref_slice %arg9[%run_scoped3A_104, %mul3A_103] : memref<16x10240xf32, #tpu.memory_space<vmem_shared>> -> memref<1x640xf32, #tpu.memory_space<vmem_shared>>
      %dma_wait3A_132 = tpu.memref_squeeze %dma_wait3A : memref<1x640xf32, #tpu.memory_space<vmem_shared>> -> memref<640xf32, #tpu.memory_space<vmem_shared>>
      %dma_wait3A_133 = tpu.memref_slice %arg9[%run_scoped3A_104, %mul3A_103] : memref<16x10240xf32, #tpu.memory_space<vmem_shared>> -> memref<1x640xf32, #tpu.memory_space<vmem_shared>>
      %dma_wait3A_134 = tpu.memref_squeeze %dma_wait3A_133 : memref<1x640xf32, #tpu.memory_space<vmem_shared>> -> memref<640xf32, #tpu.memory_space<vmem_shared>>
      tpu.wait_dma2 semaphore(%run_scoped3A_128 : memref<!tpu.dma_semaphore, #tpu.memory_space<semaphore_mem>>) src(%dma_wait3A_134 : memref<640xf32, #tpu.memory_space<vmem_shared>>) dst(%arg8 : memref<640xf32, #tpu.memory_space<vmem>>)
      tpu.yield
    }) : () -> ()
    %scan3A_105 = arith.constant 0 : i32
    %scan3A_106 = arith.constant 40 : i32
    %scan3A_107 = arith.addi %scan3A_105, %scan3A_106 : i32
    %scan3A_108 = arith.constant 1 : i32
    scf.for %scan3A_128 = %scan3A_105 to %scan3A_107 step %scan3A_108  : i32 {
      %mul3A_129 = arith.constant 1 : i32
      %mul3A_130 = arith.muli %scan3A_128, %mul3A_129 : i32
      %add3A = arith.constant 0 : i32
      %add3A_131 = arith.addi %add3A, %mul3A_130 : i32
      %mul3A_132 = arith.constant 16 : i32
      %mul3A_133 = arith.muli %add3A_131, %mul3A_132 : i32
      %get3A = arith.index_cast %mul3A_133 : i32 to index
      %get3A_134 = tpu.vector_load %arg7[%get3A] {strides = array<i32>} : memref<640xf32, #tpu.memory_space<vmem>>, vector<16xf32>,
      %mul3A_135 = arith.constant 16 : i32
      %mul3A_136 = arith.muli %add3A_131, %mul3A_135 : i32
      %get3A_137 = arith.index_cast %mul3A_136 : i32 to index
      %get3A_138 = tpu.vector_load %arg8[%get3A_137] {strides = array<i32>} : memref<640xf32, #tpu.memory_space<vmem>>, vector<16xf32>,
      %add3A_139 = arith.addf %get3A_134, %get3A_138 : vector<16xf32>
      %mul3A_140 = arith.constant 16 : i32
      %mul3A_141 = arith.muli %add3A_131, %mul3A_140 : i32
      %swap3A = arith.index_cast %mul3A_141 : i32 to index
      %swap3A_142 = tpu.vector_load %arg7[%swap3A] {strides = array<i32>} : memref<640xf32, #tpu.memory_space<vmem>>, vector<16xf32>,
      tpu.vector_store %arg7[%swap3A], %add3A_139 {strides = array<i32>} : memref<640xf32, #tpu.memory_space<vmem>>, vector<16xf32>,
    }
    %scan3A_109 = arith.constant 40 : i32
    %mul3A_110 = arith.constant 640 : i32
    %mul3A_111 = arith.muli %arg1, %mul3A_110 : i32
    %run_scoped3A_112 = arith.constant 14 : i32
    "tpu.region"() ({
      %run_scoped3A_128 = tpu.sem_alloc : memref<!tpu.dma_semaphore, #tpu.memory_space<semaphore_mem>>
      %dma_start3A = tpu.memref_slice %arg9[%run_scoped3A_112, %mul3A_111] : memref<16x10240xf32, #tpu.memory_space<vmem_shared>> -> memref<1x640xf32, #tpu.memory_space<vmem_shared>>
      %dma_start3A_129 = tpu.memref_squeeze %dma_start3A : memref<1x640xf32, #tpu.memory_space<vmem_shared>> -> memref<640xf32, #tpu.memory_space<vmem_shared>>
      %dma_start3A_130 = tpu.memref_slice %arg9[%run_scoped3A_112, %mul3A_111] : memref<16x10240xf32, #tpu.memory_space<vmem_shared>> -> memref<1x640xf32, #tpu.memory_space<vmem_shared>>
      %dma_start3A_131 = tpu.memref_squeeze %dma_start3A_130 : memref<1x640xf32, #tpu.memory_space<vmem_shared>> -> memref<640xf32, #tpu.memory_space<vmem_shared>>
      tpu.enqueue_dma source(%dma_start3A_131 : memref<640xf32, #tpu.memory_space<vmem_shared>>) target(%arg8 : memref<640xf32, #tpu.memory_space<vmem>>) target_semaphore(%run_scoped3A_128 : memref<!tpu.dma_semaphore, #tpu.memory_space<semaphore_mem>>)
      %dma_wait3A = tpu.memref_slice %arg9[%run_scoped3A_112, %mul3A_111] : memref<16x10240xf32, #tpu.memory_space<vmem_shared>> -> memref<1x640xf32, #tpu.memory_space<vmem_shared>>
      %dma_wait3A_132 = tpu.memref_squeeze %dma_wait3A : memref<1x640xf32, #tpu.memory_space<vmem_shared>> -> memref<640xf32, #tpu.memory_space<vmem_shared>>
      %dma_wait3A_133 = tpu.memref_slice %arg9[%run_scoped3A_112, %mul3A_111] : memref<16x10240xf32, #tpu.memory_space<vmem_shared>> -> memref<1x640xf32, #tpu.memory_space<vmem_shared>>
      %dma_wait3A_134 = tpu.memref_squeeze %dma_wait3A_133 : memref<1x640xf32, #tpu.memory_space<vmem_shared>> -> memref<640xf32, #tpu.memory_space<vmem_shared>>
      tpu.wait_dma2 semaphore(%run_scoped3A_128 : memref<!tpu.dma_semaphore, #tpu.memory_space<semaphore_mem>>) src(%dma_wait3A_134 : memref<640xf32, #tpu.memory_space<vmem_shared>>) dst(%arg8 : memref<640xf32, #tpu.memory_space<vmem>>)
      tpu.yield
    }) : () -> ()
    %scan3A_113 = arith.constant 0 : i32
    %scan3A_114 = arith.constant 40 : i32
    %scan3A_115 = arith.addi %scan3A_113, %scan3A_114 : i32
    %scan3A_116 = arith.constant 1 : i32
    scf.for %scan3A_128 = %scan3A_113 to %scan3A_115 step %scan3A_116  : i32 {
      %mul3A_129 = arith.constant 1 : i32
      %mul3A_130 = arith.muli %scan3A_128, %mul3A_129 : i32
      %add3A = arith.constant 0 : i32
      %add3A_131 = arith.addi %add3A, %mul3A_130 : i32
      %mul3A_132 = arith.constant 16 : i32
      %mul3A_133 = arith.muli %add3A_131, %mul3A_132 : i32
      %get3A = arith.index_cast %mul3A_133 : i32 to index
      %get3A_134 = tpu.vector_load %arg7[%get3A] {strides = array<i32>} : memref<640xf32, #tpu.memory_space<vmem>>, vector<16xf32>,
      %mul3A_135 = arith.constant 16 : i32
      %mul3A_136 = arith.muli %add3A_131, %mul3A_135 : i32
      %get3A_137 = arith.index_cast %mul3A_136 : i32 to index
      %get3A_138 = tpu.vector_load %arg8[%get3A_137] {strides = array<i32>} : memref<640xf32, #tpu.memory_space<vmem>>, vector<16xf32>,
      %add3A_139 = arith.addf %get3A_134, %get3A_138 : vector<16xf32>
      %mul3A_140 = arith.constant 16 : i32
      %mul3A_141 = arith.muli %add3A_131, %mul3A_140 : i32
      %swap3A = arith.index_cast %mul3A_141 : i32 to index
      %swap3A_142 = tpu.vector_load %arg7[%swap3A] {strides = array<i32>} : memref<640xf32, #tpu.memory_space<vmem>>, vector<16xf32>,
      tpu.vector_store %arg7[%swap3A], %add3A_139 {strides = array<i32>} : memref<640xf32, #tpu.memory_space<vmem>>, vector<16xf32>,
    }
    %scan3A_117 = arith.constant 40 : i32
    %mul3A_118 = arith.constant 640 : i32
    %mul3A_119 = arith.muli %arg1, %mul3A_118 : i32
    %run_scoped3A_120 = arith.constant 15 : i32
    "tpu.region"() ({
      %run_scoped3A_128 = tpu.sem_alloc : memref<!tpu.dma_semaphore, #tpu.memory_space<semaphore_mem>>
      %dma_start3A = tpu.memref_slice %arg9[%run_scoped3A_120, %mul3A_119] : memref<16x10240xf32, #tpu.memory_space<vmem_shared>> -> memref<1x640xf32, #tpu.memory_space<vmem_shared>>
      %dma_start3A_129 = tpu.memref_squeeze %dma_start3A : memref<1x640xf32, #tpu.memory_space<vmem_shared>> -> memref<640xf32, #tpu.memory_space<vmem_shared>>
      %dma_start3A_130 = tpu.memref_slice %arg9[%run_scoped3A_120, %mul3A_119] : memref<16x10240xf32, #tpu.memory_space<vmem_shared>> -> memref<1x640xf32, #tpu.memory_space<vmem_shared>>
      %dma_start3A_131 = tpu.memref_squeeze %dma_start3A_130 : memref<1x640xf32, #tpu.memory_space<vmem_shared>> -> memref<640xf32, #tpu.memory_space<vmem_shared>>
      tpu.enqueue_dma source(%dma_start3A_131 : memref<640xf32, #tpu.memory_space<vmem_shared>>) target(%arg8 : memref<640xf32, #tpu.memory_space<vmem>>) target_semaphore(%run_scoped3A_128 : memref<!tpu.dma_semaphore, #tpu.memory_space<semaphore_mem>>)
      %dma_wait3A = tpu.memref_slice %arg9[%run_scoped3A_120, %mul3A_119] : memref<16x10240xf32, #tpu.memory_space<vmem_shared>> -> memref<1x640xf32, #tpu.memory_space<vmem_shared>>
      %dma_wait3A_132 = tpu.memref_squeeze %dma_wait3A : memref<1x640xf32, #tpu.memory_space<vmem_shared>> -> memref<640xf32, #tpu.memory_space<vmem_shared>>
      %dma_wait3A_133 = tpu.memref_slice %arg9[%run_scoped3A_120, %mul3A_119] : memref<16x10240xf32, #tpu.memory_space<vmem_shared>> -> memref<1x640xf32, #tpu.memory_space<vmem_shared>>
      %dma_wait3A_134 = tpu.memref_squeeze %dma_wait3A_133 : memref<1x640xf32, #tpu.memory_space<vmem_shared>> -> memref<640xf32, #tpu.memory_space<vmem_shared>>
      tpu.wait_dma2 semaphore(%run_scoped3A_128 : memref<!tpu.dma_semaphore, #tpu.memory_space<semaphore_mem>>) src(%dma_wait3A_134 : memref<640xf32, #tpu.memory_space<vmem_shared>>) dst(%arg8 : memref<640xf32, #tpu.memory_space<vmem>>)
      tpu.yield
    }) : () -> ()
    %scan3A_121 = arith.constant 0 : i32
    %scan3A_122 = arith.constant 40 : i32
    %scan3A_123 = arith.addi %scan3A_121, %scan3A_122 : i32
    %scan3A_124 = arith.constant 1 : i32
    scf.for %scan3A_128 = %scan3A_121 to %scan3A_123 step %scan3A_124  : i32 {
      %mul3A_129 = arith.constant 1 : i32
      %mul3A_130 = arith.muli %scan3A_128, %mul3A_129 : i32
      %add3A = arith.constant 0 : i32
      %add3A_131 = arith.addi %add3A, %mul3A_130 : i32
      %mul3A_132 = arith.constant 16 : i32
      %mul3A_133 = arith.muli %add3A_131, %mul3A_132 : i32
      %get3A = arith.index_cast %mul3A_133 : i32 to index
      %get3A_134 = tpu.vector_load %arg7[%get3A] {strides = array<i32>} : memref<640xf32, #tpu.memory_space<vmem>>, vector<16xf32>,
      %mul3A_135 = arith.constant 16 : i32
      %mul3A_136 = arith.muli %add3A_131, %mul3A_135 : i32
      %get3A_137 = arith.index_cast %mul3A_136 : i32 to index
      %get3A_138 = tpu.vector_load %arg8[%get3A_137] {strides = array<i32>} : memref<640xf32, #tpu.memory_space<vmem>>, vector<16xf32>,
      %add3A_139 = arith.addf %get3A_134, %get3A_138 : vector<16xf32>
      %mul3A_140 = arith.constant 16 : i32
      %mul3A_141 = arith.muli %add3A_131, %mul3A_140 : i32
      %swap3A = arith.index_cast %mul3A_141 : i32 to index
      %swap3A_142 = tpu.vector_load %arg7[%swap3A] {strides = array<i32>} : memref<640xf32, #tpu.memory_space<vmem>>, vector<16xf32>,
      tpu.vector_store %arg7[%swap3A], %add3A_139 {strides = array<i32>} : memref<640xf32, #tpu.memory_space<vmem>>, vector<16xf32>,
    }
    %scan3A_125 = arith.constant 40 : i32
    %mul3A_126 = arith.constant 640 : i32
    %mul3A_127 = arith.muli %arg1, %mul3A_126 : i32
    "tpu.region"() ({
      %run_scoped3A_128 = tpu.sem_alloc : memref<!tpu.dma_semaphore, #tpu.memory_space<semaphore_mem>>
      %dma_start3A = tpu.memref_slice %arg4[%arg0, %mul3A_127] : memref<2x10240xf32, #tpu.memory_space<hbm>> -> memref<1x640xf32, #tpu.memory_space<hbm>>
      %dma_start3A_129 = tpu.memref_squeeze %dma_start3A : memref<1x640xf32, #tpu.memory_space<hbm>> -> memref<640xf32, #tpu.memory_space<hbm>>
      %dma_start3A_130 = tpu.memref_slice %arg4[%arg0, %mul3A_127] : memref<2x10240xf32, #tpu.memory_space<hbm>> -> memref<1x640xf32, #tpu.memory_space<hbm>>
      %dma_start3A_131 = tpu.memref_squeeze %dma_start3A_130 : memref<1x640xf32, #tpu.memory_space<hbm>> -> memref<640xf32, #tpu.memory_space<hbm>>
      tpu.enqueue_dma source(%arg7 : memref<640xf32, #tpu.memory_space<vmem>>) target(%dma_start3A_131 : memref<640xf32, #tpu.memory_space<hbm>>) target_semaphore(%run_scoped3A_128 : memref<!tpu.dma_semaphore, #tpu.memory_space<semaphore_mem>>)
      %dma_wait3A = tpu.memref_slice %arg4[%arg0, %mul3A_127] : memref<2x10240xf32, #tpu.memory_space<hbm>> -> memref<1x640xf32, #tpu.memory_space<hbm>>
      %dma_wait3A_132 = tpu.memref_squeeze %dma_wait3A : memref<1x640xf32, #tpu.memory_space<hbm>> -> memref<640xf32, #tpu.memory_space<hbm>>
      %dma_wait3A_133 = tpu.memref_slice %arg4[%arg0, %mul3A_127] : memref<2x10240xf32, #tpu.memory_space<hbm>> -> memref<1x640xf32, #tpu.memory_space<hbm>>
      %dma_wait3A_134 = tpu.memref_squeeze %dma_wait3A_133 : memref<1x640xf32, #tpu.memory_space<hbm>> -> memref<640xf32, #tpu.memory_space<hbm>>
      tpu.wait_dma2 semaphore(%run_scoped3A_128 : memref<!tpu.dma_semaphore, #tpu.memory_space<semaphore_mem>>) src(%arg7 : memref<640xf32, #tpu.memory_space<vmem>>) dst(%dma_wait3A_134 : memref<640xf32, #tpu.memory_space<hbm>>)
      tpu.yield
    }) : () -> ()
    return
  }
}

#map = affine_map<(d0, d1) -> (0, 0)>
#map1 = affine_map<(d0, d1) -> (0, 0, 0, 0)>
#map2 = affine_map<(d0, d1) -> (0, 0, 0)>
module attributes {stable_mosaic.version = 14 : i64} {
  func.func @_msg_kernel(%arg0: i32, %arg1: i32, %arg2: memref<20000x128xf32, #tpu.memory_space<hbm>>, %arg3: memref<2x16x320x64xi32, #tpu.memory_space<hbm>>, %arg4: memref<2x16x320x64xi32, #tpu.memory_space<hbm>>, %arg5: memref<10240x128xf32, #tpu.memory_space<hbm>>, %arg6: memref<2x10000x128xf32, #tpu.memory_space<hbm>>, %arg7: memref<32x64xi32, #tpu.memory_space<vmem>>, %arg8: memref<32x64xi32, #tpu.memory_space<vmem>>, %arg9: memref<64x128xf32, #tpu.memory_space<vmem>>, %arg10: memref<64x128xf32, #tpu.memory_space<vmem>>, %arg11: memref<64x128xf32, #tpu.memory_space<vmem>>, %arg12: memref<64x128xf32, #tpu.memory_space<vmem>>, %arg13: memref<10240x128xf32, #tpu.memory_space<vmem_shared>>, %arg14: memref<!tpu.dma_semaphore, #tpu.memory_space<semaphore_mem>>, %arg15: memref<!tpu.dma_semaphore, #tpu.memory_space<semaphore_mem>>, %arg16: memref<!tpu.dma_semaphore, #tpu.memory_space<semaphore_mem>>, %arg17: memref<!tpu.dma_semaphore, #tpu.memory_space<semaphore_mem>>, %arg18: memref<!tpu.dma_semaphore, #tpu.memory_space<semaphore_mem>>, %arg19: memref<!tpu.dma_semaphore, #tpu.memory_space<semaphore_mem>>, %arg20: memref<!tpu.dma_semaphore, #tpu.memory_space<semaphore_mem>>, %arg21: memref<!tpu.dma_semaphore, #tpu.memory_space<semaphore_mem>>) attributes {dimension_semantics = [#tpu.dimension_semantics<core_parallel>, #tpu.dimension_semantics<subcore_parallel>], iteration_bounds = array<i64: 2, 16>, scalar_prefetch = 0 : i64, scratch_operands = 15 : i64, tpu.core_type = #tpu.core_type<sc_vector_subcore>, window_params = [{transform_indices = #map}, {transform_indices = #map1}, {transform_indices = #map1}, {transform_indices = #map}, {transform_indices = #map2}]} {
    %mul3A = arith.constant 640 : i32
    %mul3A_0 = arith.muli %arg1, %mul3A : i32
    %mul3A_1 = arith.constant 640 : i32
    %mul3A_2 = arith.muli %arg1, %mul3A_1 : i32
    "tpu.region"() ({
      %run_scoped3A = tpu.sem_alloc : memref<!tpu.dma_semaphore, #tpu.memory_space<semaphore_mem>>
      %dma_start3A = arith.constant 0 : i32
      %dma_start3A_37 = tpu.memref_slice %arg13[%mul3A_2, %dma_start3A] : memref<10240x128xf32, #tpu.memory_space<vmem_shared>> -> memref<640x128xf32, #tpu.memory_space<vmem_shared>>
      %dma_start3A_38 = arith.constant 0 : i32
      %dma_start3A_39 = tpu.memref_slice %arg5[%mul3A_0, %dma_start3A_38] : memref<10240x128xf32, #tpu.memory_space<hbm>> -> memref<640x128xf32, #tpu.memory_space<hbm>>
      tpu.enqueue_dma source(%dma_start3A_39 : memref<640x128xf32, #tpu.memory_space<hbm>>) target(%dma_start3A_37 : memref<640x128xf32, #tpu.memory_space<vmem_shared>>) target_semaphore(%run_scoped3A : memref<!tpu.dma_semaphore, #tpu.memory_space<semaphore_mem>>)
      %dma_wait3A_40 = arith.constant 0 : i32
      %dma_wait3A_41 = tpu.memref_slice %arg13[%mul3A_2, %dma_wait3A_40] : memref<10240x128xf32, #tpu.memory_space<vmem_shared>> -> memref<640x128xf32, #tpu.memory_space<vmem_shared>>
      %dma_wait3A_42 = arith.constant 0 : i32
      %dma_wait3A_43 = tpu.memref_slice %arg5[%mul3A_0, %dma_wait3A_42] : memref<10240x128xf32, #tpu.memory_space<hbm>> -> memref<640x128xf32, #tpu.memory_space<hbm>>
      tpu.wait_dma2 semaphore(%run_scoped3A : memref<!tpu.dma_semaphore, #tpu.memory_space<semaphore_mem>>) src(%dma_wait3A_43 : memref<640x128xf32, #tpu.memory_space<hbm>>) dst(%dma_wait3A_41 : memref<640x128xf32, #tpu.memory_space<vmem_shared>>)
      tpu.yield
    }) : () -> ()
    %barrier3A = arith.constant 0 : index
    tpu.barrier barrier_id(%barrier3A)
    %scan3A = arith.constant 0 : i32
    %scan3A_3 = arith.constant 10 : i32
    %scan3A_4 = arith.addi %scan3A, %scan3A_3 : i32
    %scan3A_5 = arith.constant 1 : i32
    scf.for %scan3A_37 = %scan3A to %scan3A_4 step %scan3A_5  : i32 {
      %mul3A_38 = arith.constant 1 : i32
      %mul3A_39 = arith.muli %scan3A_37, %mul3A_38 : i32
      %add3A = arith.constant 0 : i32
      %add3A_40 = arith.addi %add3A, %mul3A_39 : i32
      %mul3A_41 = arith.constant 32 : i32
      %mul3A_42 = arith.muli %add3A_40, %mul3A_41 : i32
      "tpu.region"() ({
        %run_scoped3A = tpu.sem_alloc : memref<!tpu.dma_semaphore, #tpu.memory_space<semaphore_mem>>
        %dma_start3A_74 = arith.constant 0 : i32
        %dma_start3A_75 = tpu.memref_slice %arg3[%arg0, %arg1, %mul3A_42, %dma_start3A_74] : memref<2x16x320x64xi32, #tpu.memory_space<hbm>> -> memref<1x1x32x64xi32, #tpu.memory_space<hbm>>
        %dma_start3A_76 = tpu.memref_squeeze %dma_start3A_75 : memref<1x1x32x64xi32, #tpu.memory_space<hbm>> -> memref<32x64xi32, #tpu.memory_space<hbm>>
        %dma_start3A_77 = arith.constant 0 : i32
        %dma_start3A_78 = tpu.memref_slice %arg3[%arg0, %arg1, %mul3A_42, %dma_start3A_77] : memref<2x16x320x64xi32, #tpu.memory_space<hbm>> -> memref<1x1x32x64xi32, #tpu.memory_space<hbm>>
        %dma_start3A_79 = tpu.memref_squeeze %dma_start3A_78 : memref<1x1x32x64xi32, #tpu.memory_space<hbm>> -> memref<32x64xi32, #tpu.memory_space<hbm>>
        tpu.enqueue_dma source(%dma_start3A_79 : memref<32x64xi32, #tpu.memory_space<hbm>>) target(%arg7 : memref<32x64xi32, #tpu.memory_space<vmem>>) target_semaphore(%run_scoped3A : memref<!tpu.dma_semaphore, #tpu.memory_space<semaphore_mem>>)
        %dma_wait3A_80 = arith.constant 0 : i32
        %dma_wait3A_81 = tpu.memref_slice %arg3[%arg0, %arg1, %mul3A_42, %dma_wait3A_80] : memref<2x16x320x64xi32, #tpu.memory_space<hbm>> -> memref<1x1x32x64xi32, #tpu.memory_space<hbm>>
        %dma_wait3A_82 = tpu.memref_squeeze %dma_wait3A_81 : memref<1x1x32x64xi32, #tpu.memory_space<hbm>> -> memref<32x64xi32, #tpu.memory_space<hbm>>
        %dma_wait3A_83 = arith.constant 0 : i32
        %dma_wait3A_84 = tpu.memref_slice %arg3[%arg0, %arg1, %mul3A_42, %dma_wait3A_83] : memref<2x16x320x64xi32, #tpu.memory_space<hbm>> -> memref<1x1x32x64xi32, #tpu.memory_space<hbm>>
        %dma_wait3A_85 = tpu.memref_squeeze %dma_wait3A_84 : memref<1x1x32x64xi32, #tpu.memory_space<hbm>> -> memref<32x64xi32, #tpu.memory_space<hbm>>
        tpu.wait_dma2 semaphore(%run_scoped3A : memref<!tpu.dma_semaphore, #tpu.memory_space<semaphore_mem>>) src(%dma_wait3A_85 : memref<32x64xi32, #tpu.memory_space<hbm>>) dst(%arg7 : memref<32x64xi32, #tpu.memory_space<vmem>>)
        tpu.yield
      }) : () -> ()
      %mul3A_43 = arith.constant 32 : i32
      %mul3A_44 = arith.muli %add3A_40, %mul3A_43 : i32
      "tpu.region"() ({
        %run_scoped3A = tpu.sem_alloc : memref<!tpu.dma_semaphore, #tpu.memory_space<semaphore_mem>>
        %dma_start3A_74 = arith.constant 0 : i32
        %dma_start3A_75 = tpu.memref_slice %arg4[%arg0, %arg1, %mul3A_44, %dma_start3A_74] : memref<2x16x320x64xi32, #tpu.memory_space<hbm>> -> memref<1x1x32x64xi32, #tpu.memory_space<hbm>>
        %dma_start3A_76 = tpu.memref_squeeze %dma_start3A_75 : memref<1x1x32x64xi32, #tpu.memory_space<hbm>> -> memref<32x64xi32, #tpu.memory_space<hbm>>
        %dma_start3A_77 = arith.constant 0 : i32
        %dma_start3A_78 = tpu.memref_slice %arg4[%arg0, %arg1, %mul3A_44, %dma_start3A_77] : memref<2x16x320x64xi32, #tpu.memory_space<hbm>> -> memref<1x1x32x64xi32, #tpu.memory_space<hbm>>
        %dma_start3A_79 = tpu.memref_squeeze %dma_start3A_78 : memref<1x1x32x64xi32, #tpu.memory_space<hbm>> -> memref<32x64xi32, #tpu.memory_space<hbm>>
        tpu.enqueue_dma source(%dma_start3A_79 : memref<32x64xi32, #tpu.memory_space<hbm>>) target(%arg8 : memref<32x64xi32, #tpu.memory_space<vmem>>) target_semaphore(%run_scoped3A : memref<!tpu.dma_semaphore, #tpu.memory_space<semaphore_mem>>)
        %dma_wait3A_80 = arith.constant 0 : i32
        %dma_wait3A_81 = tpu.memref_slice %arg4[%arg0, %arg1, %mul3A_44, %dma_wait3A_80] : memref<2x16x320x64xi32, #tpu.memory_space<hbm>> -> memref<1x1x32x64xi32, #tpu.memory_space<hbm>>
        %dma_wait3A_82 = tpu.memref_squeeze %dma_wait3A_81 : memref<1x1x32x64xi32, #tpu.memory_space<hbm>> -> memref<32x64xi32, #tpu.memory_space<hbm>>
        %dma_wait3A_83 = arith.constant 0 : i32
        %dma_wait3A_84 = tpu.memref_slice %arg4[%arg0, %arg1, %mul3A_44, %dma_wait3A_83] : memref<2x16x320x64xi32, #tpu.memory_space<hbm>> -> memref<1x1x32x64xi32, #tpu.memory_space<hbm>>
        %dma_wait3A_85 = tpu.memref_squeeze %dma_wait3A_84 : memref<1x1x32x64xi32, #tpu.memory_space<hbm>> -> memref<32x64xi32, #tpu.memory_space<hbm>>
        tpu.wait_dma2 semaphore(%run_scoped3A : memref<!tpu.dma_semaphore, #tpu.memory_space<semaphore_mem>>) src(%dma_wait3A_85 : memref<32x64xi32, #tpu.memory_space<hbm>>) dst(%arg8 : memref<32x64xi32, #tpu.memory_space<vmem>>)
        tpu.yield
      }) : () -> ()
      %gt3A = arith.constant 0 : i32
      %gt3A_45 = arith.cmpi sgt, %add3A_40, %gt3A : i32
      %convert_element_type3A_46 = arith.extui %gt3A_45 : i1 to i32
      %cond3A_47 = arith.constant 0 : i32
      %cond3A_48 = arith.cmpi ne, %convert_element_type3A_46, %cond3A_47 : i32
      scf.if %cond3A_48 {
        %dma_wait3A_74 = arith.constant 0 : i32
        %dma_wait3A_75 = arith.constant 0 : i32
        %dma_wait3A_76 = tpu.memref_slice %arg2[%dma_wait3A_74, %dma_wait3A_75] : memref<20000x128xf32, #tpu.memory_space<hbm>> -> memref<64x128xf32, #tpu.memory_space<hbm>>
        %dma_wait3A_77 = arith.constant 0 : i32
        %dma_wait3A_78 = arith.constant 0 : i32
        %dma_wait3A_79 = tpu.memref_slice %arg2[%dma_wait3A_77, %dma_wait3A_78] : memref<20000x128xf32, #tpu.memory_space<hbm>> -> memref<64x128xf32, #tpu.memory_space<hbm>>
        tpu.wait_dma2 semaphore(%arg18 : memref<!tpu.dma_semaphore, #tpu.memory_space<semaphore_mem>>) src(%dma_wait3A_79 : memref<64x128xf32, #tpu.memory_space<hbm>>) dst(%arg9 : memref<64x128xf32, #tpu.memory_space<vmem>>)
        %dma_wait3A_80 = arith.constant 0 : i32
        %dma_wait3A_81 = arith.constant 0 : i32
        %dma_wait3A_82 = tpu.memref_slice %arg2[%dma_wait3A_80, %dma_wait3A_81] : memref<20000x128xf32, #tpu.memory_space<hbm>> -> memref<64x128xf32, #tpu.memory_space<hbm>>
        %dma_wait3A_83 = arith.constant 0 : i32
        %dma_wait3A_84 = arith.constant 0 : i32
        %dma_wait3A_85 = tpu.memref_slice %arg2[%dma_wait3A_83, %dma_wait3A_84] : memref<20000x128xf32, #tpu.memory_space<hbm>> -> memref<64x128xf32, #tpu.memory_space<hbm>>
        tpu.wait_dma2 semaphore(%arg19 : memref<!tpu.dma_semaphore, #tpu.memory_space<semaphore_mem>>) src(%dma_wait3A_85 : memref<64x128xf32, #tpu.memory_space<hbm>>) dst(%arg10 : memref<64x128xf32, #tpu.memory_space<vmem>>)
        %dma_wait3A_86 = arith.constant 0 : i32
        %dma_wait3A_87 = arith.constant 0 : i32
        %dma_wait3A_88 = tpu.memref_slice %arg2[%dma_wait3A_86, %dma_wait3A_87] : memref<20000x128xf32, #tpu.memory_space<hbm>> -> memref<64x128xf32, #tpu.memory_space<hbm>>
        %dma_wait3A_89 = arith.constant 0 : i32
        %dma_wait3A_90 = arith.constant 0 : i32
        %dma_wait3A_91 = tpu.memref_slice %arg2[%dma_wait3A_89, %dma_wait3A_90] : memref<20000x128xf32, #tpu.memory_space<hbm>> -> memref<64x128xf32, #tpu.memory_space<hbm>>
        tpu.wait_dma2 semaphore(%arg20 : memref<!tpu.dma_semaphore, #tpu.memory_space<semaphore_mem>>) src(%dma_wait3A_91 : memref<64x128xf32, #tpu.memory_space<hbm>>) dst(%arg11 : memref<64x128xf32, #tpu.memory_space<vmem>>)
      } else {
      }
      %dma_start3A = arith.constant 0 : i32
      %dma_start3A_49 = arith.constant 0 : i32
      %dma_start3A_50 = tpu.memref_slice %arg7[%dma_start3A, %dma_start3A_49] : memref<32x64xi32, #tpu.memory_space<vmem>> -> memref<1x64xi32, #tpu.memory_space<vmem>>
      %dma_start3A_51 = tpu.memref_squeeze %dma_start3A_50 : memref<1x64xi32, #tpu.memory_space<vmem>> -> memref<64xi32, #tpu.memory_space<vmem>>
      %dma_start3A_52 = arith.constant 0 : i32
      %dma_start3A_53 = arith.constant 0 : i32
      %dma_start3A_54 = tpu.memref_slice %arg2[%dma_start3A_52, %dma_start3A_53] : memref<20000x128xf32, #tpu.memory_space<hbm>> -> memref<20000x128xf32, #tpu.memory_space<hbm>>
      tpu.enqueue_indirect_dma source(%dma_start3A_54 : memref<20000x128xf32, #tpu.memory_space<hbm>>) target(%arg9 : memref<64x128xf32, #tpu.memory_space<vmem>>) offsets(%dma_start3A_51 : memref<64xi32, #tpu.memory_space<vmem>>) semaphore(%arg14 : memref<!tpu.dma_semaphore, #tpu.memory_space<semaphore_mem>>)
      %dma_start3A_55 = arith.constant 1 : i32
      %dma_start3A_56 = arith.constant 0 : i32
      %dma_start3A_57 = tpu.memref_slice %arg7[%dma_start3A_55, %dma_start3A_56] : memref<32x64xi32, #tpu.memory_space<vmem>> -> memref<1x64xi32, #tpu.memory_space<vmem>>
      %dma_start3A_58 = tpu.memref_squeeze %dma_start3A_57 : memref<1x64xi32, #tpu.memory_space<vmem>> -> memref<64xi32, #tpu.memory_space<vmem>>
      %dma_start3A_59 = arith.constant 0 : i32
      %dma_start3A_60 = arith.constant 0 : i32
      %dma_start3A_61 = tpu.memref_slice %arg2[%dma_start3A_59, %dma_start3A_60] : memref<20000x128xf32, #tpu.memory_space<hbm>> -> memref<20000x128xf32, #tpu.memory_space<hbm>>
      tpu.enqueue_indirect_dma source(%dma_start3A_61 : memref<20000x128xf32, #tpu.memory_space<hbm>>) target(%arg10 : memref<64x128xf32, #tpu.memory_space<vmem>>) offsets(%dma_start3A_58 : memref<64xi32, #tpu.memory_space<vmem>>) semaphore(%arg15 : memref<!tpu.dma_semaphore, #tpu.memory_space<semaphore_mem>>)
      %dma_start3A_62 = arith.constant 2 : i32
      %dma_start3A_63 = arith.constant 0 : i32
      %dma_start3A_64 = tpu.memref_slice %arg7[%dma_start3A_62, %dma_start3A_63] : memref<32x64xi32, #tpu.memory_space<vmem>> -> memref<1x64xi32, #tpu.memory_space<vmem>>
      %dma_start3A_65 = tpu.memref_squeeze %dma_start3A_64 : memref<1x64xi32, #tpu.memory_space<vmem>> -> memref<64xi32, #tpu.memory_space<vmem>>
      %dma_start3A_66 = arith.constant 0 : i32
      %dma_start3A_67 = arith.constant 0 : i32
      %dma_start3A_68 = tpu.memref_slice %arg2[%dma_start3A_66, %dma_start3A_67] : memref<20000x128xf32, #tpu.memory_space<hbm>> -> memref<20000x128xf32, #tpu.memory_space<hbm>>
      tpu.enqueue_indirect_dma source(%dma_start3A_68 : memref<20000x128xf32, #tpu.memory_space<hbm>>) target(%arg11 : memref<64x128xf32, #tpu.memory_space<vmem>>) offsets(%dma_start3A_65 : memref<64xi32, #tpu.memory_space<vmem>>) semaphore(%arg16 : memref<!tpu.dma_semaphore, #tpu.memory_space<semaphore_mem>>)
      %scan3A_69 = arith.constant 0 : i32
      %scan3A_70 = arith.constant 8 : i32
      %scan3A_71 = arith.addi %scan3A_69, %scan3A_70 : i32
      %scan3A_72 = arith.constant 1 : i32
      scf.for %scan3A_74 = %scan3A_69 to %scan3A_71 step %scan3A_72  : i32 {
        %mul3A_75 = arith.constant 4 : i32
        %mul3A_76 = arith.muli %scan3A_74, %mul3A_75 : i32
        %add3A_77 = arith.constant 0 : i32
        %add3A_78 = arith.addi %add3A_77, %mul3A_76 : i32
        %add3A_79 = arith.constant 0 : i32
        %add3A_80 = arith.addi %add3A_78, %add3A_79 : i32
        %add3A_81 = arith.constant 3 : i32
        %add3A_82 = arith.addi %add3A_80, %add3A_81 : i32
        %lt3A = arith.constant 32 : i32
        %lt3A_83 = arith.cmpi slt, %add3A_82, %lt3A : i32
        %convert_element_type3A_84 = arith.extui %lt3A_83 : i1 to i32
        %cond3A_85 = arith.constant 0 : i32
        %cond3A_86 = arith.cmpi ne, %convert_element_type3A_84, %cond3A_85 : i32
        scf.if %cond3A_86 {
          %add3A_170 = arith.addi %add3A_40, %add3A_78 : i32
          %add3A_171 = arith.constant 0 : i32
          %add3A_172 = arith.addi %add3A_170, %add3A_171 : i32
          %gt3A_173 = arith.constant 0 : i32
          %gt3A_174 = arith.cmpi sgt, %add3A_172, %gt3A_173 : i32
          %convert_element_type3A_175 = arith.extui %gt3A_174 : i1 to i32
          %cond3A_176 = arith.constant 0 : i32
          %cond3A_177 = arith.cmpi ne, %convert_element_type3A_175, %cond3A_176 : i32
          scf.if %cond3A_177 {
            %dma_wait3A_188 = arith.constant 0 : i32
            %dma_wait3A_189 = arith.constant 0 : i32
            %dma_wait3A_190 = tpu.memref_slice %arg2[%dma_wait3A_188, %dma_wait3A_189] : memref<20000x128xf32, #tpu.memory_space<hbm>> -> memref<64x128xf32, #tpu.memory_space<hbm>>
            %dma_wait3A_191 = arith.constant 0 : i32
            %dma_wait3A_192 = arith.constant 0 : i32
            %dma_wait3A_193 = tpu.memref_slice %arg2[%dma_wait3A_191, %dma_wait3A_192] : memref<20000x128xf32, #tpu.memory_space<hbm>> -> memref<64x128xf32, #tpu.memory_space<hbm>>
            tpu.wait_dma2 semaphore(%arg21 : memref<!tpu.dma_semaphore, #tpu.memory_space<semaphore_mem>>) src(%dma_wait3A_193 : memref<64x128xf32, #tpu.memory_space<hbm>>) dst(%arg12 : memref<64x128xf32, #tpu.memory_space<vmem>>)
          } else {
          }
          %add3A_178 = arith.constant 0 : i32
          %add3A_179 = arith.addi %add3A_78, %add3A_178 : i32
          %add3A_180 = arith.constant 3 : i32
          %add3A_181 = arith.addi %add3A_179, %add3A_180 : i32
          %dma_start3A_182 = arith.constant 0 : i32
          %dma_start3A_183 = tpu.memref_slice %arg7[%add3A_181, %dma_start3A_182] : memref<32x64xi32, #tpu.memory_space<vmem>> -> memref<1x64xi32, #tpu.memory_space<vmem>>
          %dma_start3A_184 = tpu.memref_squeeze %dma_start3A_183 : memref<1x64xi32, #tpu.memory_space<vmem>> -> memref<64xi32, #tpu.memory_space<vmem>>
          %dma_start3A_185 = arith.constant 0 : i32
          %dma_start3A_186 = arith.constant 0 : i32
          %dma_start3A_187 = tpu.memref_slice %arg2[%dma_start3A_185, %dma_start3A_186] : memref<20000x128xf32, #tpu.memory_space<hbm>> -> memref<20000x128xf32, #tpu.memory_space<hbm>>
          tpu.enqueue_indirect_dma source(%dma_start3A_187 : memref<20000x128xf32, #tpu.memory_space<hbm>>) target(%arg12 : memref<64x128xf32, #tpu.memory_space<vmem>>) offsets(%dma_start3A_184 : memref<64xi32, #tpu.memory_space<vmem>>) semaphore(%arg17 : memref<!tpu.dma_semaphore, #tpu.memory_space<semaphore_mem>>)
        } else {
        }
        %dma_wait3A_87 = arith.constant 0 : i32
        %dma_wait3A_88 = arith.constant 0 : i32
        %dma_wait3A_89 = tpu.memref_slice %arg2[%dma_wait3A_87, %dma_wait3A_88] : memref<20000x128xf32, #tpu.memory_space<hbm>> -> memref<64x128xf32, #tpu.memory_space<hbm>>
        %dma_wait3A_90 = arith.constant 0 : i32
        %dma_wait3A_91 = arith.constant 0 : i32
        %dma_wait3A_92 = tpu.memref_slice %arg2[%dma_wait3A_90, %dma_wait3A_91] : memref<20000x128xf32, #tpu.memory_space<hbm>> -> memref<64x128xf32, #tpu.memory_space<hbm>>
        tpu.wait_dma2 semaphore(%arg14 : memref<!tpu.dma_semaphore, #tpu.memory_space<semaphore_mem>>) src(%dma_wait3A_92 : memref<64x128xf32, #tpu.memory_space<hbm>>) dst(%arg9 : memref<64x128xf32, #tpu.memory_space<vmem>>)
        %add3A_93 = arith.constant 0 : i32
        %add3A_94 = arith.addi %add3A_78, %add3A_93 : i32
        %dma_start3A_95 = arith.constant 0 : i32
        %dma_start3A_96 = tpu.memref_slice %arg8[%add3A_94, %dma_start3A_95] : memref<32x64xi32, #tpu.memory_space<vmem>> -> memref<1x64xi32, #tpu.memory_space<vmem>>
        %dma_start3A_97 = tpu.memref_squeeze %dma_start3A_96 : memref<1x64xi32, #tpu.memory_space<vmem>> -> memref<64xi32, #tpu.memory_space<vmem>>
        %dma_start3A_98 = arith.constant 0 : i32
        %dma_start3A_99 = arith.constant 0 : i32
        %dma_start3A_100 = tpu.memref_slice %arg13[%dma_start3A_98, %dma_start3A_99] : memref<10240x128xf32, #tpu.memory_space<vmem_shared>> -> memref<10240x128xf32, #tpu.memory_space<vmem_shared>>
        tpu.enqueue_indirect_dma source(%arg9 : memref<64x128xf32, #tpu.memory_space<vmem>>) target(%dma_start3A_100 : memref<10240x128xf32, #tpu.memory_space<vmem_shared>>) offsets(%dma_start3A_97 : memref<64xi32, #tpu.memory_space<vmem>>) semaphore(%arg18 : memref<!tpu.dma_semaphore, #tpu.memory_space<semaphore_mem>>) {add = true}
        %add3A_101 = arith.constant 1 : i32
        %add3A_102 = arith.addi %add3A_78, %add3A_101 : i32
        %add3A_103 = arith.constant 3 : i32
        %add3A_104 = arith.addi %add3A_102, %add3A_103 : i32
        %lt3A_105 = arith.constant 32 : i32
        %lt3A_106 = arith.cmpi slt, %add3A_104, %lt3A_105 : i32
        %convert_element_type3A_107 = arith.extui %lt3A_106 : i1 to i32
        %cond3A_108 = arith.constant 0 : i32
        %cond3A_109 = arith.cmpi ne, %convert_element_type3A_107, %cond3A_108 : i32
        scf.if %cond3A_109 {
          %add3A_170 = arith.addi %add3A_40, %add3A_78 : i32
          %add3A_171 = arith.constant 1 : i32
          %add3A_172 = arith.addi %add3A_170, %add3A_171 : i32
          %gt3A_173 = arith.constant 0 : i32
          %gt3A_174 = arith.cmpi sgt, %add3A_172, %gt3A_173 : i32
          %convert_element_type3A_175 = arith.extui %gt3A_174 : i1 to i32
          %cond3A_176 = arith.constant 0 : i32
          %cond3A_177 = arith.cmpi ne, %convert_element_type3A_175, %cond3A_176 : i32
          scf.if %cond3A_177 {
            %dma_wait3A_188 = arith.constant 0 : i32
            %dma_wait3A_189 = arith.constant 0 : i32
            %dma_wait3A_190 = tpu.memref_slice %arg2[%dma_wait3A_188, %dma_wait3A_189] : memref<20000x128xf32, #tpu.memory_space<hbm>> -> memref<64x128xf32, #tpu.memory_space<hbm>>
            %dma_wait3A_191 = arith.constant 0 : i32
            %dma_wait3A_192 = arith.constant 0 : i32
            %dma_wait3A_193 = tpu.memref_slice %arg2[%dma_wait3A_191, %dma_wait3A_192] : memref<20000x128xf32, #tpu.memory_space<hbm>> -> memref<64x128xf32, #tpu.memory_space<hbm>>
            tpu.wait_dma2 semaphore(%arg18 : memref<!tpu.dma_semaphore, #tpu.memory_space<semaphore_mem>>) src(%dma_wait3A_193 : memref<64x128xf32, #tpu.memory_space<hbm>>) dst(%arg9 : memref<64x128xf32, #tpu.memory_space<vmem>>)
          } else {
          }
          %add3A_178 = arith.constant 1 : i32
          %add3A_179 = arith.addi %add3A_78, %add3A_178 : i32
          %add3A_180 = arith.constant 3 : i32
          %add3A_181 = arith.addi %add3A_179, %add3A_180 : i32
          %dma_start3A_182 = arith.constant 0 : i32
          %dma_start3A_183 = tpu.memref_slice %arg7[%add3A_181, %dma_start3A_182] : memref<32x64xi32, #tpu.memory_space<vmem>> -> memref<1x64xi32, #tpu.memory_space<vmem>>
          %dma_start3A_184 = tpu.memref_squeeze %dma_start3A_183 : memref<1x64xi32, #tpu.memory_space<vmem>> -> memref<64xi32, #tpu.memory_space<vmem>>
          %dma_start3A_185 = arith.constant 0 : i32
          %dma_start3A_186 = arith.constant 0 : i32
          %dma_start3A_187 = tpu.memref_slice %arg2[%dma_start3A_185, %dma_start3A_186] : memref<20000x128xf32, #tpu.memory_space<hbm>> -> memref<20000x128xf32, #tpu.memory_space<hbm>>
          tpu.enqueue_indirect_dma source(%dma_start3A_187 : memref<20000x128xf32, #tpu.memory_space<hbm>>) target(%arg9 : memref<64x128xf32, #tpu.memory_space<vmem>>) offsets(%dma_start3A_184 : memref<64xi32, #tpu.memory_space<vmem>>) semaphore(%arg14 : memref<!tpu.dma_semaphore, #tpu.memory_space<semaphore_mem>>)
        } else {
        }
        %dma_wait3A_110 = arith.constant 0 : i32
        %dma_wait3A_111 = arith.constant 0 : i32
        %dma_wait3A_112 = tpu.memref_slice %arg2[%dma_wait3A_110, %dma_wait3A_111] : memref<20000x128xf32, #tpu.memory_space<hbm>> -> memref<64x128xf32, #tpu.memory_space<hbm>>
        %dma_wait3A_113 = arith.constant 0 : i32
        %dma_wait3A_114 = arith.constant 0 : i32
        %dma_wait3A_115 = tpu.memref_slice %arg2[%dma_wait3A_113, %dma_wait3A_114] : memref<20000x128xf32, #tpu.memory_space<hbm>> -> memref<64x128xf32, #tpu.memory_space<hbm>>
        tpu.wait_dma2 semaphore(%arg15 : memref<!tpu.dma_semaphore, #tpu.memory_space<semaphore_mem>>) src(%dma_wait3A_115 : memref<64x128xf32, #tpu.memory_space<hbm>>) dst(%arg10 : memref<64x128xf32, #tpu.memory_space<vmem>>)
        %add3A_116 = arith.constant 1 : i32
        %add3A_117 = arith.addi %add3A_78, %add3A_116 : i32
        %dma_start3A_118 = arith.constant 0 : i32
        %dma_start3A_119 = tpu.memref_slice %arg8[%add3A_117, %dma_start3A_118] : memref<32x64xi32, #tpu.memory_space<vmem>> -> memref<1x64xi32, #tpu.memory_space<vmem>>
        %dma_start3A_120 = tpu.memref_squeeze %dma_start3A_119 : memref<1x64xi32, #tpu.memory_space<vmem>> -> memref<64xi32, #tpu.memory_space<vmem>>
        %dma_start3A_121 = arith.constant 0 : i32
        %dma_start3A_122 = arith.constant 0 : i32
        %dma_start3A_123 = tpu.memref_slice %arg13[%dma_start3A_121, %dma_start3A_122] : memref<10240x128xf32, #tpu.memory_space<vmem_shared>> -> memref<10240x128xf32, #tpu.memory_space<vmem_shared>>
        tpu.enqueue_indirect_dma source(%arg10 : memref<64x128xf32, #tpu.memory_space<vmem>>) target(%dma_start3A_123 : memref<10240x128xf32, #tpu.memory_space<vmem_shared>>) offsets(%dma_start3A_120 : memref<64xi32, #tpu.memory_space<vmem>>) semaphore(%arg19 : memref<!tpu.dma_semaphore, #tpu.memory_space<semaphore_mem>>) {add = true}
        %add3A_124 = arith.constant 2 : i32
        %add3A_125 = arith.addi %add3A_78, %add3A_124 : i32
        %add3A_126 = arith.constant 3 : i32
        %add3A_127 = arith.addi %add3A_125, %add3A_126 : i32
        %lt3A_128 = arith.constant 32 : i32
        %lt3A_129 = arith.cmpi slt, %add3A_127, %lt3A_128 : i32
        %convert_element_type3A_130 = arith.extui %lt3A_129 : i1 to i32
        %cond3A_131 = arith.constant 0 : i32
        %cond3A_132 = arith.cmpi ne, %convert_element_type3A_130, %cond3A_131 : i32
        scf.if %cond3A_132 {
          %add3A_170 = arith.addi %add3A_40, %add3A_78 : i32
          %add3A_171 = arith.constant 2 : i32
          %add3A_172 = arith.addi %add3A_170, %add3A_171 : i32
          %gt3A_173 = arith.constant 0 : i32
          %gt3A_174 = arith.cmpi sgt, %add3A_172, %gt3A_173 : i32
          %convert_element_type3A_175 = arith.extui %gt3A_174 : i1 to i32
          %cond3A_176 = arith.constant 0 : i32
          %cond3A_177 = arith.cmpi ne, %convert_element_type3A_175, %cond3A_176 : i32
          scf.if %cond3A_177 {
            %dma_wait3A_188 = arith.constant 0 : i32
            %dma_wait3A_189 = arith.constant 0 : i32
            %dma_wait3A_190 = tpu.memref_slice %arg2[%dma_wait3A_188, %dma_wait3A_189] : memref<20000x128xf32, #tpu.memory_space<hbm>> -> memref<64x128xf32, #tpu.memory_space<hbm>>
            %dma_wait3A_191 = arith.constant 0 : i32
            %dma_wait3A_192 = arith.constant 0 : i32
            %dma_wait3A_193 = tpu.memref_slice %arg2[%dma_wait3A_191, %dma_wait3A_192] : memref<20000x128xf32, #tpu.memory_space<hbm>> -> memref<64x128xf32, #tpu.memory_space<hbm>>
            tpu.wait_dma2 semaphore(%arg19 : memref<!tpu.dma_semaphore, #tpu.memory_space<semaphore_mem>>) src(%dma_wait3A_193 : memref<64x128xf32, #tpu.memory_space<hbm>>) dst(%arg10 : memref<64x128xf32, #tpu.memory_space<vmem>>)
          } else {
          }
          %add3A_178 = arith.constant 2 : i32
          %add3A_179 = arith.addi %add3A_78, %add3A_178 : i32
          %add3A_180 = arith.constant 3 : i32
          %add3A_181 = arith.addi %add3A_179, %add3A_180 : i32
          %dma_start3A_182 = arith.constant 0 : i32
          %dma_start3A_183 = tpu.memref_slice %arg7[%add3A_181, %dma_start3A_182] : memref<32x64xi32, #tpu.memory_space<vmem>> -> memref<1x64xi32, #tpu.memory_space<vmem>>
          %dma_start3A_184 = tpu.memref_squeeze %dma_start3A_183 : memref<1x64xi32, #tpu.memory_space<vmem>> -> memref<64xi32, #tpu.memory_space<vmem>>
          %dma_start3A_185 = arith.constant 0 : i32
          %dma_start3A_186 = arith.constant 0 : i32
          %dma_start3A_187 = tpu.memref_slice %arg2[%dma_start3A_185, %dma_start3A_186] : memref<20000x128xf32, #tpu.memory_space<hbm>> -> memref<20000x128xf32, #tpu.memory_space<hbm>>
          tpu.enqueue_indirect_dma source(%dma_start3A_187 : memref<20000x128xf32, #tpu.memory_space<hbm>>) target(%arg10 : memref<64x128xf32, #tpu.memory_space<vmem>>) offsets(%dma_start3A_184 : memref<64xi32, #tpu.memory_space<vmem>>) semaphore(%arg15 : memref<!tpu.dma_semaphore, #tpu.memory_space<semaphore_mem>>)
        } else {
        }
        %dma_wait3A_133 = arith.constant 0 : i32
        %dma_wait3A_134 = arith.constant 0 : i32
        %dma_wait3A_135 = tpu.memref_slice %arg2[%dma_wait3A_133, %dma_wait3A_134] : memref<20000x128xf32, #tpu.memory_space<hbm>> -> memref<64x128xf32, #tpu.memory_space<hbm>>
        %dma_wait3A_136 = arith.constant 0 : i32
        %dma_wait3A_137 = arith.constant 0 : i32
        %dma_wait3A_138 = tpu.memref_slice %arg2[%dma_wait3A_136, %dma_wait3A_137] : memref<20000x128xf32, #tpu.memory_space<hbm>> -> memref<64x128xf32, #tpu.memory_space<hbm>>
        tpu.wait_dma2 semaphore(%arg16 : memref<!tpu.dma_semaphore, #tpu.memory_space<semaphore_mem>>) src(%dma_wait3A_138 : memref<64x128xf32, #tpu.memory_space<hbm>>) dst(%arg11 : memref<64x128xf32, #tpu.memory_space<vmem>>)
        %add3A_139 = arith.constant 2 : i32
        %add3A_140 = arith.addi %add3A_78, %add3A_139 : i32
        %dma_start3A_141 = arith.constant 0 : i32
        %dma_start3A_142 = tpu.memref_slice %arg8[%add3A_140, %dma_start3A_141] : memref<32x64xi32, #tpu.memory_space<vmem>> -> memref<1x64xi32, #tpu.memory_space<vmem>>
        %dma_start3A_143 = tpu.memref_squeeze %dma_start3A_142 : memref<1x64xi32, #tpu.memory_space<vmem>> -> memref<64xi32, #tpu.memory_space<vmem>>
        %dma_start3A_144 = arith.constant 0 : i32
        %dma_start3A_145 = arith.constant 0 : i32
        %dma_start3A_146 = tpu.memref_slice %arg13[%dma_start3A_144, %dma_start3A_145] : memref<10240x128xf32, #tpu.memory_space<vmem_shared>> -> memref<10240x128xf32, #tpu.memory_space<vmem_shared>>
        tpu.enqueue_indirect_dma source(%arg11 : memref<64x128xf32, #tpu.memory_space<vmem>>) target(%dma_start3A_146 : memref<10240x128xf32, #tpu.memory_space<vmem_shared>>) offsets(%dma_start3A_143 : memref<64xi32, #tpu.memory_space<vmem>>) semaphore(%arg20 : memref<!tpu.dma_semaphore, #tpu.memory_space<semaphore_mem>>) {add = true}
        %add3A_147 = arith.constant 3 : i32
        %add3A_148 = arith.addi %add3A_78, %add3A_147 : i32
        %add3A_149 = arith.constant 3 : i32
        %add3A_150 = arith.addi %add3A_148, %add3A_149 : i32
        %lt3A_151 = arith.constant 32 : i32
        %lt3A_152 = arith.cmpi slt, %add3A_150, %lt3A_151 : i32
        %convert_element_type3A_153 = arith.extui %lt3A_152 : i1 to i32
        %cond3A_154 = arith.constant 0 : i32
        %cond3A_155 = arith.cmpi ne, %convert_element_type3A_153, %cond3A_154 : i32
        scf.if %cond3A_155 {
          %add3A_170 = arith.addi %add3A_40, %add3A_78 : i32
          %add3A_171 = arith.constant 3 : i32
          %add3A_172 = arith.addi %add3A_170, %add3A_171 : i32
          %gt3A_173 = arith.constant 0 : i32
          %gt3A_174 = arith.cmpi sgt, %add3A_172, %gt3A_173 : i32
          %convert_element_type3A_175 = arith.extui %gt3A_174 : i1 to i32
          %cond3A_176 = arith.constant 0 : i32
          %cond3A_177 = arith.cmpi ne, %convert_element_type3A_175, %cond3A_176 : i32
          scf.if %cond3A_177 {
            %dma_wait3A_188 = arith.constant 0 : i32
            %dma_wait3A_189 = arith.constant 0 : i32
            %dma_wait3A_190 = tpu.memref_slice %arg2[%dma_wait3A_188, %dma_wait3A_189] : memref<20000x128xf32, #tpu.memory_space<hbm>> -> memref<64x128xf32, #tpu.memory_space<hbm>>
            %dma_wait3A_191 = arith.constant 0 : i32
            %dma_wait3A_192 = arith.constant 0 : i32
            %dma_wait3A_193 = tpu.memref_slice %arg2[%dma_wait3A_191, %dma_wait3A_192] : memref<20000x128xf32, #tpu.memory_space<hbm>> -> memref<64x128xf32, #tpu.memory_space<hbm>>
            tpu.wait_dma2 semaphore(%arg20 : memref<!tpu.dma_semaphore, #tpu.memory_space<semaphore_mem>>) src(%dma_wait3A_193 : memref<64x128xf32, #tpu.memory_space<hbm>>) dst(%arg11 : memref<64x128xf32, #tpu.memory_space<vmem>>)
          } else {
          }
          %add3A_178 = arith.constant 3 : i32
          %add3A_179 = arith.addi %add3A_78, %add3A_178 : i32
          %add3A_180 = arith.constant 3 : i32
          %add3A_181 = arith.addi %add3A_179, %add3A_180 : i32
          %dma_start3A_182 = arith.constant 0 : i32
          %dma_start3A_183 = tpu.memref_slice %arg7[%add3A_181, %dma_start3A_182] : memref<32x64xi32, #tpu.memory_space<vmem>> -> memref<1x64xi32, #tpu.memory_space<vmem>>
          %dma_start3A_184 = tpu.memref_squeeze %dma_start3A_183 : memref<1x64xi32, #tpu.memory_space<vmem>> -> memref<64xi32, #tpu.memory_space<vmem>>
          %dma_start3A_185 = arith.constant 0 : i32
          %dma_start3A_186 = arith.constant 0 : i32
          %dma_start3A_187 = tpu.memref_slice %arg2[%dma_start3A_185, %dma_start3A_186] : memref<20000x128xf32, #tpu.memory_space<hbm>> -> memref<20000x128xf32, #tpu.memory_space<hbm>>
          tpu.enqueue_indirect_dma source(%dma_start3A_187 : memref<20000x128xf32, #tpu.memory_space<hbm>>) target(%arg11 : memref<64x128xf32, #tpu.memory_space<vmem>>) offsets(%dma_start3A_184 : memref<64xi32, #tpu.memory_space<vmem>>) semaphore(%arg16 : memref<!tpu.dma_semaphore, #tpu.memory_space<semaphore_mem>>)
        } else {
        }
        %dma_wait3A_156 = arith.constant 0 : i32
        %dma_wait3A_157 = arith.constant 0 : i32
        %dma_wait3A_158 = tpu.memref_slice %arg2[%dma_wait3A_156, %dma_wait3A_157] : memref<20000x128xf32, #tpu.memory_space<hbm>> -> memref<64x128xf32, #tpu.memory_space<hbm>>
        %dma_wait3A_159 = arith.constant 0 : i32
        %dma_wait3A_160 = arith.constant 0 : i32
        %dma_wait3A_161 = tpu.memref_slice %arg2[%dma_wait3A_159, %dma_wait3A_160] : memref<20000x128xf32, #tpu.memory_space<hbm>> -> memref<64x128xf32, #tpu.memory_space<hbm>>
        tpu.wait_dma2 semaphore(%arg17 : memref<!tpu.dma_semaphore, #tpu.memory_space<semaphore_mem>>) src(%dma_wait3A_161 : memref<64x128xf32, #tpu.memory_space<hbm>>) dst(%arg12 : memref<64x128xf32, #tpu.memory_space<vmem>>)
        %add3A_162 = arith.constant 3 : i32
        %add3A_163 = arith.addi %add3A_78, %add3A_162 : i32
        %dma_start3A_164 = arith.constant 0 : i32
        %dma_start3A_165 = tpu.memref_slice %arg8[%add3A_163, %dma_start3A_164] : memref<32x64xi32, #tpu.memory_space<vmem>> -> memref<1x64xi32, #tpu.memory_space<vmem>>
        %dma_start3A_166 = tpu.memref_squeeze %dma_start3A_165 : memref<1x64xi32, #tpu.memory_space<vmem>> -> memref<64xi32, #tpu.memory_space<vmem>>
        %dma_start3A_167 = arith.constant 0 : i32
        %dma_start3A_168 = arith.constant 0 : i32
        %dma_start3A_169 = tpu.memref_slice %arg13[%dma_start3A_167, %dma_start3A_168] : memref<10240x128xf32, #tpu.memory_space<vmem_shared>> -> memref<10240x128xf32, #tpu.memory_space<vmem_shared>>
        tpu.enqueue_indirect_dma source(%arg12 : memref<64x128xf32, #tpu.memory_space<vmem>>) target(%dma_start3A_169 : memref<10240x128xf32, #tpu.memory_space<vmem_shared>>) offsets(%dma_start3A_166 : memref<64xi32, #tpu.memory_space<vmem>>) semaphore(%arg21 : memref<!tpu.dma_semaphore, #tpu.memory_space<semaphore_mem>>) {add = true}
      }
      %scan3A_73 = arith.constant 8 : i32
    }
    %scan3A_6 = arith.constant 10 : i32
    %dma_wait3A = arith.constant 0 : i32
    %dma_wait3A_7 = arith.constant 0 : i32
    %dma_wait3A_8 = tpu.memref_slice %arg2[%dma_wait3A, %dma_wait3A_7] : memref<20000x128xf32, #tpu.memory_space<hbm>> -> memref<64x128xf32, #tpu.memory_space<hbm>>
    %dma_wait3A_9 = arith.constant 0 : i32
    %dma_wait3A_10 = arith.constant 0 : i32
    %dma_wait3A_11 = tpu.memref_slice %arg2[%dma_wait3A_9, %dma_wait3A_10] : memref<20000x128xf32, #tpu.memory_space<hbm>> -> memref<64x128xf32, #tpu.memory_space<hbm>>
    tpu.wait_dma2 semaphore(%arg18 : memref<!tpu.dma_semaphore, #tpu.memory_space<semaphore_mem>>) src(%dma_wait3A_11 : memref<64x128xf32, #tpu.memory_space<hbm>>) dst(%arg9 : memref<64x128xf32, #tpu.memory_space<vmem>>)
    %dma_wait3A_12 = arith.constant 0 : i32
    %dma_wait3A_13 = arith.constant 0 : i32
    %dma_wait3A_14 = tpu.memref_slice %arg2[%dma_wait3A_12, %dma_wait3A_13] : memref<20000x128xf32, #tpu.memory_space<hbm>> -> memref<64x128xf32, #tpu.memory_space<hbm>>
    %dma_wait3A_15 = arith.constant 0 : i32
    %dma_wait3A_16 = arith.constant 0 : i32
    %dma_wait3A_17 = tpu.memref_slice %arg2[%dma_wait3A_15, %dma_wait3A_16] : memref<20000x128xf32, #tpu.memory_space<hbm>> -> memref<64x128xf32, #tpu.memory_space<hbm>>
    tpu.wait_dma2 semaphore(%arg19 : memref<!tpu.dma_semaphore, #tpu.memory_space<semaphore_mem>>) src(%dma_wait3A_17 : memref<64x128xf32, #tpu.memory_space<hbm>>) dst(%arg10 : memref<64x128xf32, #tpu.memory_space<vmem>>)
    %dma_wait3A_18 = arith.constant 0 : i32
    %dma_wait3A_19 = arith.constant 0 : i32
    %dma_wait3A_20 = tpu.memref_slice %arg2[%dma_wait3A_18, %dma_wait3A_19] : memref<20000x128xf32, #tpu.memory_space<hbm>> -> memref<64x128xf32, #tpu.memory_space<hbm>>
    %dma_wait3A_21 = arith.constant 0 : i32
    %dma_wait3A_22 = arith.constant 0 : i32
    %dma_wait3A_23 = tpu.memref_slice %arg2[%dma_wait3A_21, %dma_wait3A_22] : memref<20000x128xf32, #tpu.memory_space<hbm>> -> memref<64x128xf32, #tpu.memory_space<hbm>>
    tpu.wait_dma2 semaphore(%arg20 : memref<!tpu.dma_semaphore, #tpu.memory_space<semaphore_mem>>) src(%dma_wait3A_23 : memref<64x128xf32, #tpu.memory_space<hbm>>) dst(%arg11 : memref<64x128xf32, #tpu.memory_space<vmem>>)
    %dma_wait3A_24 = arith.constant 0 : i32
    %dma_wait3A_25 = arith.constant 0 : i32
    %dma_wait3A_26 = tpu.memref_slice %arg2[%dma_wait3A_24, %dma_wait3A_25] : memref<20000x128xf32, #tpu.memory_space<hbm>> -> memref<64x128xf32, #tpu.memory_space<hbm>>
    %dma_wait3A_27 = arith.constant 0 : i32
    %dma_wait3A_28 = arith.constant 0 : i32
    %dma_wait3A_29 = tpu.memref_slice %arg2[%dma_wait3A_27, %dma_wait3A_28] : memref<20000x128xf32, #tpu.memory_space<hbm>> -> memref<64x128xf32, #tpu.memory_space<hbm>>
    tpu.wait_dma2 semaphore(%arg21 : memref<!tpu.dma_semaphore, #tpu.memory_space<semaphore_mem>>) src(%dma_wait3A_29 : memref<64x128xf32, #tpu.memory_space<hbm>>) dst(%arg12 : memref<64x128xf32, #tpu.memory_space<vmem>>)
    %barrier3A_30 = arith.constant 0 : index
    tpu.barrier barrier_id(%barrier3A_30)
    %mul3A_31 = arith.constant 624 : i32
    %mul3A_32 = arith.muli %arg1, %mul3A_31 : i32
    %mul3A_33 = arith.constant 624 : i32
    %mul3A_34 = arith.muli %arg1, %mul3A_33 : i32
    "tpu.region"() ({
      %run_scoped3A = tpu.sem_alloc : memref<!tpu.dma_semaphore, #tpu.memory_space<semaphore_mem>>
      %dma_start3A = arith.constant 0 : i32
      %dma_start3A_37 = tpu.memref_slice %arg6[%arg0, %mul3A_34, %dma_start3A] : memref<2x10000x128xf32, #tpu.memory_space<hbm>> -> memref<1x624x128xf32, #tpu.memory_space<hbm>>
      %dma_start3A_38 = tpu.memref_squeeze %dma_start3A_37 : memref<1x624x128xf32, #tpu.memory_space<hbm>> -> memref<624x128xf32, #tpu.memory_space<hbm>>
      %dma_start3A_39 = arith.constant 0 : i32
      %dma_start3A_40 = tpu.memref_slice %arg13[%mul3A_32, %dma_start3A_39] : memref<10240x128xf32, #tpu.memory_space<vmem_shared>> -> memref<624x128xf32, #tpu.memory_space<vmem_shared>>
      tpu.enqueue_dma source(%dma_start3A_40 : memref<624x128xf32, #tpu.memory_space<vmem_shared>>) target(%dma_start3A_38 : memref<624x128xf32, #tpu.memory_space<hbm>>) target_semaphore(%run_scoped3A : memref<!tpu.dma_semaphore, #tpu.memory_space<semaphore_mem>>)
      %dma_wait3A_41 = arith.constant 0 : i32
      %dma_wait3A_42 = tpu.memref_slice %arg6[%arg0, %mul3A_34, %dma_wait3A_41] : memref<2x10000x128xf32, #tpu.memory_space<hbm>> -> memref<1x624x128xf32, #tpu.memory_space<hbm>>
      %dma_wait3A_43 = tpu.memref_squeeze %dma_wait3A_42 : memref<1x624x128xf32, #tpu.memory_space<hbm>> -> memref<624x128xf32, #tpu.memory_space<hbm>>
      %dma_wait3A_44 = arith.constant 0 : i32
      %dma_wait3A_45 = tpu.memref_slice %arg13[%mul3A_32, %dma_wait3A_44] : memref<10240x128xf32, #tpu.memory_space<vmem_shared>> -> memref<624x128xf32, #tpu.memory_space<vmem_shared>>
      tpu.wait_dma2 semaphore(%run_scoped3A : memref<!tpu.dma_semaphore, #tpu.memory_space<semaphore_mem>>) src(%dma_wait3A_45 : memref<624x128xf32, #tpu.memory_space<vmem_shared>>) dst(%dma_wait3A_43 : memref<624x128xf32, #tpu.memory_space<hbm>>)
      tpu.yield
    }) : () -> ()
    %eq3A = arith.constant 0 : i32
    %eq3A_35 = arith.cmpi eq, %arg1, %eq3A : i32
    %convert_element_type3A = arith.extui %eq3A_35 : i1 to i32
    %cond3A = arith.constant 0 : i32
    %cond3A_36 = arith.cmpi ne, %convert_element_type3A, %cond3A : i32
    scf.if %cond3A_36 {
      "tpu.region"() ({
        %run_scoped3A = tpu.sem_alloc : memref<!tpu.dma_semaphore, #tpu.memory_space<semaphore_mem>>
        %dma_start3A = arith.constant 9984 : i32
        %dma_start3A_37 = arith.constant 0 : i32
        %dma_start3A_38 = tpu.memref_slice %arg6[%arg0, %dma_start3A, %dma_start3A_37] : memref<2x10000x128xf32, #tpu.memory_space<hbm>> -> memref<1x16x128xf32, #tpu.memory_space<hbm>>
        %dma_start3A_39 = tpu.memref_squeeze %dma_start3A_38 : memref<1x16x128xf32, #tpu.memory_space<hbm>> -> memref<16x128xf32, #tpu.memory_space<hbm>>
        %dma_start3A_40 = arith.constant 9984 : i32
        %dma_start3A_41 = arith.constant 0 : i32
        %dma_start3A_42 = tpu.memref_slice %arg13[%dma_start3A_40, %dma_start3A_41] : memref<10240x128xf32, #tpu.memory_space<vmem_shared>> -> memref<16x128xf32, #tpu.memory_space<vmem_shared>>
        tpu.enqueue_dma source(%dma_start3A_42 : memref<16x128xf32, #tpu.memory_space<vmem_shared>>) target(%dma_start3A_39 : memref<16x128xf32, #tpu.memory_space<hbm>>) target_semaphore(%run_scoped3A : memref<!tpu.dma_semaphore, #tpu.memory_space<semaphore_mem>>)
        %dma_wait3A_43 = arith.constant 9984 : i32
        %dma_wait3A_44 = arith.constant 0 : i32
        %dma_wait3A_45 = tpu.memref_slice %arg6[%arg0, %dma_wait3A_43, %dma_wait3A_44] : memref<2x10000x128xf32, #tpu.memory_space<hbm>> -> memref<1x16x128xf32, #tpu.memory_space<hbm>>
        %dma_wait3A_46 = tpu.memref_squeeze %dma_wait3A_45 : memref<1x16x128xf32, #tpu.memory_space<hbm>> -> memref<16x128xf32, #tpu.memory_space<hbm>>
        %dma_wait3A_47 = arith.constant 9984 : i32
        %dma_wait3A_48 = arith.constant 0 : i32
        %dma_wait3A_49 = tpu.memref_slice %arg13[%dma_wait3A_47, %dma_wait3A_48] : memref<10240x128xf32, #tpu.memory_space<vmem_shared>> -> memref<16x128xf32, #tpu.memory_space<vmem_shared>>
        tpu.wait_dma2 semaphore(%run_scoped3A : memref<!tpu.dma_semaphore, #tpu.memory_space<semaphore_mem>>) src(%dma_wait3A_49 : memref<16x128xf32, #tpu.memory_space<vmem_shared>>) dst(%dma_wait3A_46 : memref<16x128xf32, #tpu.memory_space<hbm>>)
        tpu.yield
      }) : () -> ()
    } else {
    }
    return
  }
}

module attributes {stable_mosaic.version = 14 : i64} {
  func.func @_proj_body(%arg0: memref<10000x128xf32, #tpu.memory_space<vmem>>, %arg1: memref<128x128xf32, #tpu.memory_space<vmem>>, %arg2: memref<1x128xf32, #tpu.memory_space<vmem>>, %arg3: memref<10000x128xf32, #tpu.memory_space<vmem>>) attributes {dimension_semantics = [], scalar_prefetch = 0 : i64, scratch_operands = 0 : i64, tpu.core_type = #tpu.core_type<tc>} {
    %get3A = arith.constant 0 : index
    %get3A_0 = arith.constant 0 : index
    %get3A_1 = vector.load %arg0[%get3A, %get3A_0] : memref<10000x128xf32, #tpu.memory_space<vmem>>, vector<10000x128xf32>
    %get3A_2 = arith.constant 0 : index
    %get3A_3 = arith.constant 0 : index
    %get3A_4 = vector.load %arg1[%get3A_2, %get3A_3] : memref<128x128xf32, #tpu.memory_space<vmem>>, vector<128x128xf32>
    %dot_general3A = arith.constant dense<0.000000e+00> : vector<10000x128xf32>
    %dot_general3A_5 = tpu.matmul %get3A_1, %get3A_4, %dot_general3A {dimension_numbers = #tpu.dot_dimension_numbers<[1], [0], [0], [1], [0, 0, 1, 1], [], []>, transpose_lhs_hint = false} : vector<10000x128xf32>, vector<128x128xf32>, vector<10000x128xf32> -> vector<10000x128xf32>
    %get3A_6 = arith.constant 0 : index
    %get3A_7 = arith.constant 0 : index
    %get3A_8 = vector.load %arg2[%get3A_6, %get3A_7] : memref<1x128xf32, #tpu.memory_space<vmem>>, vector<1x128xf32>
    %add3A = vector.broadcast %get3A_8 : vector<1x128xf32> to vector<10000x128xf32>
    %add3A_9 = arith.addf %dot_general3A_5, %add3A : vector<10000x128xf32>
    %gt3A = arith.constant 0.000000e+00 : f32
    %gt3A_10 = vector.broadcast %gt3A : f32 to vector<10000x128xf32>
    %gt3A_11 = arith.cmpf ogt, %add3A_9, %gt3A_10 : vector<10000x128xf32>
    %min3A = arith.constant 0.000000e+00 : f32
    %min3A_12 = vector.broadcast %min3A : f32 to vector<10000x128xf32>
    %min3A_13 = arith.minimumf %add3A_9, %min3A_12 : vector<10000x128xf32>
    %exp3A = math.exp %min3A_13 : vector<10000x128xf32>
    %sub3A = arith.constant 1.000000e+00 : f32
    %sub3A_14 = vector.broadcast %sub3A : f32 to vector<10000x128xf32>
    %sub3A_15 = arith.subf %exp3A, %sub3A_14 : vector<10000x128xf32>
    %select_n3A = arith.select %gt3A_11, %add3A_9, %sub3A_15 : vector<10000x128xi1>, vector<10000x128xf32>
    %swap3A = arith.constant 0 : index
    %swap3A_16 = arith.constant 0 : index
    %swap3A_17 = vector.load %arg3[%swap3A, %swap3A_16] : memref<10000x128xf32, #tpu.memory_space<vmem>>, vector<10000x128xf32>
    tpu.vector_store %arg3[%swap3A, %swap3A_16], %select_n3A {strides = array<i32>} : memref<10000x128xf32, #tpu.memory_space<vmem>>, vector<10000x128xf32>,
    return
  }
}

module attributes {stable_mosaic.version = 14 : i64} {
  func.func @_scale_body(%arg0: memref<10000x128xf32, #tpu.memory_space<vmem>>, %arg1: memref<10000x1xf32, #tpu.memory_space<vmem>>, %arg2: memref<10000x1xf32, #tpu.memory_space<vmem>>, %arg3: memref<2x10000x128xf32, #tpu.memory_space<vmem>>) attributes {dimension_semantics = [], scalar_prefetch = 0 : i64, scratch_operands = 0 : i64, tpu.core_type = #tpu.core_type<tc>} {
    %get3A = arith.constant 0 : index
    %get3A_0 = arith.constant 0 : index
    %get3A_1 = vector.load %arg0[%get3A, %get3A_0] : memref<10000x128xf32, #tpu.memory_space<vmem>>, vector<10000x128xf32>
    %get3A_2 = arith.constant 0 : index
    %get3A_3 = arith.constant 0 : index
    %get3A_4 = vector.load %arg1[%get3A_2, %get3A_3] : memref<10000x1xf32, #tpu.memory_space<vmem>>, vector<10000x1xf32>
    %max3A = arith.constant 1.000000e+00 : f32
    %max3A_5 = vector.broadcast %max3A : f32 to vector<10000x1xf32>
    %max3A_6 = arith.maximumf %get3A_4, %max3A_5 : vector<10000x1xf32>
    %rsqrt3A = math.rsqrt %max3A_6 : vector<10000x1xf32>
    %mul3A = vector.broadcast %rsqrt3A : vector<10000x1xf32> to vector<10000x128xf32>
    %mul3A_7 = arith.mulf %mul3A, %get3A_1 : vector<10000x128xf32>
    %swap3A = arith.constant 0 : index
    %swap3A_8 = arith.constant 0 : index
    %swap3A_9 = arith.constant 0 : index
    %swap3A_10 = vector.load %arg3[%swap3A, %swap3A_8, %swap3A_9] : memref<2x10000x128xf32, #tpu.memory_space<vmem>>, vector<1x10000x128xf32>
    %swap3A_11 = vector.shape_cast %swap3A_10 : vector<1x10000x128xf32> to vector<10000x128xf32>
    %swap3A_12 = vector.shape_cast %mul3A_7 : vector<10000x128xf32> to vector<1x10000x128xf32>
    tpu.vector_store %arg3[%swap3A, %swap3A_8, %swap3A_9], %swap3A_12 {strides = array<i32>} : memref<2x10000x128xf32, #tpu.memory_space<vmem>>, vector<1x10000x128xf32>,
    %get3A_13 = arith.constant 0 : index
    %get3A_14 = arith.constant 0 : index
    %get3A_15 = vector.load %arg2[%get3A_13, %get3A_14] : memref<10000x1xf32, #tpu.memory_space<vmem>>, vector<10000x1xf32>
    %max3A_16 = arith.constant 1.000000e+00 : f32
    %max3A_17 = vector.broadcast %max3A_16 : f32 to vector<10000x1xf32>
    %max3A_18 = arith.maximumf %get3A_15, %max3A_17 : vector<10000x1xf32>
    %rsqrt3A_19 = math.rsqrt %max3A_18 : vector<10000x1xf32>
    %mul3A_20 = vector.broadcast %rsqrt3A_19 : vector<10000x1xf32> to vector<10000x128xf32>
    %mul3A_21 = arith.mulf %mul3A_20, %get3A_1 : vector<10000x128xf32>
    %swap3A_22 = arith.constant 1 : index
    %swap3A_23 = arith.constant 0 : index
    %swap3A_24 = arith.constant 0 : index
    %swap3A_25 = vector.load %arg3[%swap3A_22, %swap3A_23, %swap3A_24] : memref<2x10000x128xf32, #tpu.memory_space<vmem>>, vector<1x10000x128xf32>
    %swap3A_26 = vector.shape_cast %swap3A_25 : vector<1x10000x128xf32> to vector<10000x128xf32>
    %swap3A_27 = vector.shape_cast %mul3A_21 : vector<10000x128xf32> to vector<1x10000x128xf32>
    tpu.vector_store %arg3[%swap3A_22, %swap3A_23, %swap3A_24], %swap3A_27 {strides = array<i32>} : memref<2x10000x128xf32, #tpu.memory_space<vmem>>, vector<1x10000x128xf32>,
    return
  }
}

module attributes {stable_mosaic.version = 14 : i64} {
  func.func @_final_body(%arg0: memref<2x10000x128xf32, #tpu.memory_space<vmem>>, %arg1: memref<10000x1xf32, #tpu.memory_space<vmem>>, %arg2: memref<10000x1xf32, #tpu.memory_space<vmem>>, %arg3: memref<128x128xf32, #tpu.memory_space<vmem>>, %arg4: memref<1x128xf32, #tpu.memory_space<vmem>>, %arg5: memref<1x128xf32, #tpu.memory_space<vmem>>, %arg6: memref<10000x128xf32, #tpu.memory_space<vmem>>) attributes {dimension_semantics = [], scalar_prefetch = 0 : i64, scratch_operands = 0 : i64, tpu.core_type = #tpu.core_type<tc>} {
    %get3A = arith.constant 0 : index
    %get3A_0 = arith.constant 0 : index
    %get3A_1 = vector.load %arg1[%get3A, %get3A_0] : memref<10000x1xf32, #tpu.memory_space<vmem>>, vector<10000x1xf32>
    %max3A = arith.constant 1.000000e+00 : f32
    %max3A_2 = vector.broadcast %max3A : f32 to vector<10000x1xf32>
    %max3A_3 = arith.maximumf %get3A_1, %max3A_2 : vector<10000x1xf32>
    %rsqrt3A = math.rsqrt %max3A_3 : vector<10000x1xf32>
    %get3A_4 = arith.constant 0 : index
    %get3A_5 = arith.constant 0 : index
    %get3A_6 = arith.constant 0 : index
    %get3A_7 = vector.load %arg0[%get3A_4, %get3A_5, %get3A_6] : memref<2x10000x128xf32, #tpu.memory_space<vmem>>, vector<1x10000x128xf32>
    %get3A_8 = vector.shape_cast %get3A_7 : vector<1x10000x128xf32> to vector<10000x128xf32>
    %mul3A = vector.broadcast %rsqrt3A : vector<10000x1xf32> to vector<10000x128xf32>
    %mul3A_9 = arith.mulf %mul3A, %get3A_8 : vector<10000x128xf32>
    %gt3A = arith.constant 0.000000e+00 : f32
    %gt3A_10 = vector.broadcast %gt3A : f32 to vector<10000x128xf32>
    %gt3A_11 = arith.cmpf ogt, %mul3A_9, %gt3A_10 : vector<10000x128xf32>
    %min3A = arith.constant 0.000000e+00 : f32
    %min3A_12 = vector.broadcast %min3A : f32 to vector<10000x128xf32>
    %min3A_13 = arith.minimumf %mul3A_9, %min3A_12 : vector<10000x128xf32>
    %exp3A = math.exp %min3A_13 : vector<10000x128xf32>
    %sub3A = arith.constant 1.000000e+00 : f32
    %sub3A_14 = vector.broadcast %sub3A : f32 to vector<10000x128xf32>
    %sub3A_15 = arith.subf %exp3A, %sub3A_14 : vector<10000x128xf32>
    %select_n3A = arith.select %gt3A_11, %mul3A_9, %sub3A_15 : vector<10000x128xi1>, vector<10000x128xf32>
    %get3A_16 = arith.constant 0 : index
    %get3A_17 = arith.constant 0 : index
    %get3A_18 = vector.load %arg2[%get3A_16, %get3A_17] : memref<10000x1xf32, #tpu.memory_space<vmem>>, vector<10000x1xf32>
    %max3A_19 = arith.constant 1.000000e+00 : f32
    %max3A_20 = vector.broadcast %max3A_19 : f32 to vector<10000x1xf32>
    %max3A_21 = arith.maximumf %get3A_18, %max3A_20 : vector<10000x1xf32>
    %rsqrt3A_22 = math.rsqrt %max3A_21 : vector<10000x1xf32>
    %get3A_23 = arith.constant 1 : index
    %get3A_24 = arith.constant 0 : index
    %get3A_25 = arith.constant 0 : index
    %get3A_26 = vector.load %arg0[%get3A_23, %get3A_24, %get3A_25] : memref<2x10000x128xf32, #tpu.memory_space<vmem>>, vector<1x10000x128xf32>
    %get3A_27 = vector.shape_cast %get3A_26 : vector<1x10000x128xf32> to vector<10000x128xf32>
    %mul3A_28 = vector.broadcast %rsqrt3A_22 : vector<10000x1xf32> to vector<10000x128xf32>
    %mul3A_29 = arith.mulf %mul3A_28, %get3A_27 : vector<10000x128xf32>
    %gt3A_30 = arith.constant 0.000000e+00 : f32
    %gt3A_31 = vector.broadcast %gt3A_30 : f32 to vector<10000x128xf32>
    %gt3A_32 = arith.cmpf ogt, %mul3A_29, %gt3A_31 : vector<10000x128xf32>
    %min3A_33 = arith.constant 0.000000e+00 : f32
    %min3A_34 = vector.broadcast %min3A_33 : f32 to vector<10000x128xf32>
    %min3A_35 = arith.minimumf %mul3A_29, %min3A_34 : vector<10000x128xf32>
    %exp3A_36 = math.exp %min3A_35 : vector<10000x128xf32>
    %sub3A_37 = arith.constant 1.000000e+00 : f32
    %sub3A_38 = vector.broadcast %sub3A_37 : f32 to vector<10000x128xf32>
    %sub3A_39 = arith.subf %exp3A_36, %sub3A_38 : vector<10000x128xf32>
    %select_n3A_40 = arith.select %gt3A_32, %mul3A_29, %sub3A_39 : vector<10000x128xi1>, vector<10000x128xf32>
    %get3A_41 = arith.constant 0 : index
    %get3A_42 = arith.constant 0 : index
    %get3A_43 = vector.load %arg3[%get3A_41, %get3A_42] : memref<128x128xf32, #tpu.memory_space<vmem>>, vector<128x128xf32>
    %get3A_44 = arith.constant 0 : index
    %get3A_45 = arith.constant 0 : index
    %get3A_46 = vector.load %arg4[%get3A_44, %get3A_45] : memref<1x128xf32, #tpu.memory_space<vmem>>, vector<1x128xf32>
    %get3A_47 = arith.constant 0 : index
    %get3A_48 = arith.constant 0 : index
    %get3A_49 = vector.load %arg5[%get3A_47, %get3A_48] : memref<1x128xf32, #tpu.memory_space<vmem>>, vector<1x128xf32>
    %dot_general3A = arith.constant dense<0.000000e+00> : vector<10000x128xf32>
    %dot_general3A_50 = tpu.matmul %select_n3A, %get3A_43, %dot_general3A {dimension_numbers = #tpu.dot_dimension_numbers<[1], [0], [0], [1], [0, 0, 1, 1], [], []>, transpose_lhs_hint = false} : vector<10000x128xf32>, vector<128x128xf32>, vector<10000x128xf32> -> vector<10000x128xf32>
    %add3A = vector.broadcast %get3A_46 : vector<1x128xf32> to vector<10000x128xf32>
    %add3A_51 = arith.addf %dot_general3A_50, %add3A : vector<10000x128xf32>
    %tanh3A = math.tanh %add3A_51 : vector<10000x128xf32>
    %dot_general3A_52 = arith.constant dense<0.000000e+00> : vector<10000x128xf32>
    %dot_general3A_53 = tpu.matmul %select_n3A_40, %get3A_43, %dot_general3A_52 {dimension_numbers = #tpu.dot_dimension_numbers<[1], [0], [0], [1], [0, 0, 1, 1], [], []>, transpose_lhs_hint = false} : vector<10000x128xf32>, vector<128x128xf32>, vector<10000x128xf32> -> vector<10000x128xf32>
    %add3A_54 = vector.broadcast %get3A_46 : vector<1x128xf32> to vector<10000x128xf32>
    %add3A_55 = arith.addf %dot_general3A_53, %add3A_54 : vector<10000x128xf32>
    %tanh3A_56 = math.tanh %add3A_55 : vector<10000x128xf32>
    %mul3A_57 = vector.broadcast %get3A_49 : vector<1x128xf32> to vector<10000x128xf32>
    %mul3A_58 = arith.mulf %tanh3A, %mul3A_57 : vector<10000x128xf32>
    %reduce_sum3A = vector.shape_cast %mul3A_58 : vector<10000x128xf32> to vector<1x10000x128xf32>
    %reduce_sum3A_59 = arith.constant dense<0.000000e+00> : vector<1xf32>
    %reduce_sum3A_60 = vector.multi_reduction <add>, %reduce_sum3A, %reduce_sum3A_59 [1, 2] : vector<1x10000x128xf32> to vector<1xf32>
    %reduce_sum3A_61 = vector.shape_cast %reduce_sum3A_60 : vector<1xf32> to vector<1x1x1xf32>
    %reduce_sum3A_62 = vector.extract %reduce_sum3A_61[0, 0, 0] : f32 from vector<1x1x1xf32>
    %broadcast_in_dim3A = vector.broadcast %reduce_sum3A_62 : f32 to vector<1x1xf32>
    %mul3A_63 = arith.constant 9.99999974E-5 : f32
    %mul3A_64 = vector.broadcast %mul3A_63 : f32 to vector<1x1xf32>
    %mul3A_65 = arith.mulf %broadcast_in_dim3A, %mul3A_64 : vector<1x1xf32>
    %mul3A_66 = vector.broadcast %get3A_49 : vector<1x128xf32> to vector<10000x128xf32>
    %mul3A_67 = arith.mulf %tanh3A_56, %mul3A_66 : vector<10000x128xf32>
    %reduce_sum3A_68 = vector.shape_cast %mul3A_67 : vector<10000x128xf32> to vector<1x10000x128xf32>
    %reduce_sum3A_69 = arith.constant dense<0.000000e+00> : vector<1xf32>
    %reduce_sum3A_70 = vector.multi_reduction <add>, %reduce_sum3A_68, %reduce_sum3A_69 [1, 2] : vector<1x10000x128xf32> to vector<1xf32>
    %reduce_sum3A_71 = vector.shape_cast %reduce_sum3A_70 : vector<1xf32> to vector<1x1x1xf32>
    %reduce_sum3A_72 = vector.extract %reduce_sum3A_71[0, 0, 0] : f32 from vector<1x1x1xf32>
    %broadcast_in_dim3A_73 = vector.broadcast %reduce_sum3A_72 : f32 to vector<1x1xf32>
    %mul3A_74 = arith.constant 9.99999974E-5 : f32
    %mul3A_75 = vector.broadcast %mul3A_74 : f32 to vector<1x1xf32>
    %mul3A_76 = arith.mulf %broadcast_in_dim3A_73, %mul3A_75 : vector<1x1xf32>
    %sub3A_77 = arith.subf %mul3A_65, %mul3A_76 : vector<1x1xf32>
    %exp3A_78 = math.exp %sub3A_77 : vector<1x1xf32>
    %add3A_79 = arith.constant 1.000000e+00 : f32
    %add3A_80 = vector.broadcast %add3A_79 : f32 to vector<1x1xf32>
    %add3A_81 = arith.addf %add3A_80, %exp3A_78 : vector<1x1xf32>
    %div3A = arith.constant 1.000000e+00 : f32
    %div3A_82 = vector.broadcast %div3A : f32 to vector<1x1xf32>
    %div3A_83 = arith.divf %div3A_82, %add3A_81 : vector<1x1xf32>
    %sub3A_84 = arith.constant 1.000000e+00 : f32
    %sub3A_85 = vector.broadcast %sub3A_84 : f32 to vector<1x1xf32>
    %sub3A_86 = arith.subf %sub3A_85, %div3A_83 : vector<1x1xf32>
    %mul3A_87 = vector.broadcast %sub3A_86 : vector<1x1xf32> to vector<10000x128xf32>
    %mul3A_88 = arith.mulf %mul3A_87, %select_n3A : vector<10000x128xf32>
    %mul3A_89 = vector.broadcast %div3A_83 : vector<1x1xf32> to vector<10000x128xf32>
    %mul3A_90 = arith.mulf %mul3A_89, %select_n3A_40 : vector<10000x128xf32>
    %add3A_91 = arith.addf %mul3A_88, %mul3A_90 : vector<10000x128xf32>
    %swap3A = arith.constant 0 : index
    %swap3A_92 = arith.constant 0 : index
    %swap3A_93 = vector.load %arg6[%swap3A, %swap3A_92] : memref<10000x128xf32, #tpu.memory_space<vmem>>, vector<10000x128xf32>
    tpu.vector_store %arg6[%swap3A, %swap3A_92], %add3A_91 {strides = array<i32>} : memref<10000x128xf32, #tpu.memory_space<vmem>>, vector<10000x128xf32>,
    return
  }
}

</mosaic_0001>

<sc_bundles>
// kernel: kernel.10.cloned.1.call-start
scs
__scs_entry_jumppad:
0x0: {  	(pc) =	sbr.rel $0x88, $3  }
0x1: {  	(tag) =	ssettag $0x0;
	lr =	simm.s32 $0x1  }
0x2: {  	[smem:$0x3F99] =	sst lr;
	_ =	strace $0xD0000000  }
0x3: {  	_ = 	snop  }
0x4: {  	_ = 	snop  }
0x5: {  	_ = 	snop  }
0x6: {  	_ = 	snop  }
0x7: {  	_ = 	snop  }
__scs_overlays_trampoline_lowered:
0x8: {  	[smem:$0x3FA8] =	sst s0  }
0x9: {  	[smem:$0x3FA9] =	sst s1  }
0xa: {  	[smem:$0x3FAA] =	sst s2  }
0xb: {  	[smem:$0x3FAB] =	sst s3  }
0xc: {  	[smem:$0x3FAC] =	sst s4  }
0xd: {  	[smem:$0x3FAD] =	sst s5  }
0xe: {  	[smem:$0x3FAE] =	sst s6  }
0xf: {  	[smem:$0x3FAF] =	sst s7  }
0x10: {  	[smem:$0x3FB0] =	sst s8  }
0x11: {  	[smem:$0x3FB1] =	sst s9;
	s0 =	simm.s32 @!p0 $0x0  }
0x12: {  	s1 =	sld [smem:$0x3F97];
	s0 =	simm.s32 @p0 $0x1  }
0x13: {  	[smem:$0x3FB2] =	sst s0;
	s0 =	simm.s32 @!p1 $0x0  }
0x14: {  	s2 =	sld [smem:$0x3F96];
	s0 =	simm.s32 @p1 $0x1  }
0x15: {  	[smem:$0x3FB3] =	sst s0;
	s0 =	simm.s32 @!p2 $0x0  }
0x16: {  	s3 =	sld [smem:$0x3FDB];
	s0 =	simm.s32 @p2 $0x1  }
0x17: {  	s4 =	simm.s32 $0x1BF5;
	[smem:$0x3FB5] =	sst s0  }
0x18: {  	s0 =	sld [smem:$0x3F98];
	_ =	swait.ge [sflag:s4], $0x0  }
0x19: {  	s7 =	sld [smem:$0x3F99]  }
0x1a: {  	s8 =	sadd.s32 $0xFFFFE003, lr  }
0x1b: {  	s9 =	sadd.s32 $0xFFFFFEF7, lr;
	s5 =	simm.s32 $0xFFFFFFFF;
	p2 =	slt.u32 s8, $0xFFFFF086  }
0x1c: {  	p1 =	slt.u32 s9, $0xF7A;
	s5 =	simm.s32 @!p2 $0x0  }
0x1d: {  	s5 =	simm.s32 @p1 $0x1;
	p0 =	seq.s32 s7, s2  }
0x1e: {  	s7 =	smul.u32 @!p0 $0xF7A, s2;
	p2 =	seq.s32 @!p0 s5, $0x0  }
0x1f: {  	s9 =	smul.u32 $0xF7A, s1;
	s8 =	simm.s32 @!p0 $0x1BF5;
	p2 =	por !p2, p0  }
0x20: {  	[sflag:s8] =	ssyncset.s32 @!p0 $0xFFFFF086;
	s6 =	sadd.s32 @!p0 s3, s7;
	s7 =	simm.s32 @!p0 $0x108  }
0x21: {  	s3 =	sadd.s32 s3, s9;
	s6 =	sadd.s32 @!p0 $0x88, s6;
	s7 =	simm.s32 @p2 $0x1082  }
0x22: {  	[simem:s7], [sflag:s8] =	dma.local @!p0 [hbm:s6], $0xF7A  }
0x23: {  	s9 =	sor.u32 $0xD0000000, s2;
	s6 =	simm.s32 $0x108;
	_ =	swait.ge @!p0 [sflag:s8], $0x0  }
0x24: {  	s3 =	sadd.s32 $0x88, s3;
	s6 =	simm.s32 @!p1 $0x1082;
	[sflag:s4] =	ssyncset.s32 $0xFFFFF086  }
0x25: {  	[simem:s6], [sflag:s4] =	dma.local [hbm:s3], $0xF7A  }
0x26: {  	[smem:$0x3F99] =	sst s1;
	(tag) =	ssettag s2;
	_ =	strace s9  }
0x27: {  	s1 =	sld [smem:$0x3FA9]  }
0x28: {  	s2 =	sld [smem:$0x3FAA]  }
0x29: {  	s4 =	sld [smem:$0x3FAC]  }
0x2a: {  	p0 =	seq.s32 s5, $0x0;
	s5 =	sld [smem:$0x3FAD]  }
0x2b: {  	s6 =	sld [smem:$0x3FAE]  }
0x2c: {  	s7 =	sld [smem:$0x3FAF]  }
0x2d: {  	s3 =	simm.s32 $0x108;
	s8 =	sld [smem:$0x3FB0]  }
0x2e: {  	s3 =	simm.s32 @!p0 $0x1082;
	s9 =	sld [smem:$0x3FB1]  }
0x2f: {  	lr =	sadd.s32 s0, s3;
	s0 =	sld [smem:$0x3FA8]  }
0x30: {  	s3 =	sld [smem:$0x3FAB]  }
0x31: {  	[smem:$0x3FB4] =	sst s10  }
0x32: {  	s10 =	sld [smem:$0x3FB2];
	_ =	sdelay $0x3  }
0x33: {  	p0 =	seq.s32 s10, $0x1;
	s10 =	sld [smem:$0x3FB4];
	_ =	sdelay $0x3  }
0x34: {  	[smem:$0x3FB4] =	sst s10  }
0x35: {  	s10 =	sld [smem:$0x3FB3];
	_ =	sdelay $0x3  }
0x36: {  	p1 =	seq.s32 s10, $0x1;
	s10 =	sld [smem:$0x3FB4];
	_ =	sdelay $0x3  }
0x37: {  	[smem:$0x3FB4] =	sst s10  }
0x38: {  	s10 =	sld [smem:$0x3FB5]  }
0x39: {  	_ = 	snop;
	(pc) =	sbr.ind lr, $3  }
0x3a: {  	_ = 	snop  }
0x3b: {  	_ = 	snop  }
0x3c: {  	p2 =	seq.s32 s10, $0x1;
	s10 =	sld [smem:$0x3FB4]  }
0x3d: {  	_ =	shalt  }
0x3e: {  	_ =	shalt  }
0x3f: {  	_ =	shalt  }
0x40: {  	_ =	shalt  }
0x41: {  	_ =	shalt  }
0x42: {  	_ =	shalt  }
0x43: {  	_ =	shalt  }
0x44: {  	_ =	shalt  }
0x45: {  	_ =	shalt  }
0x46: {  	_ =	shalt  }
0x47: {  	_ =	shalt  }
0x48: {  	_ =	shalt  }
0x49: {  	_ =	shalt  }
0x4a: {  	_ =	shalt  }
0x4b: {  	_ =	shalt  }
0x4c: {  	_ =	shalt  }
0x4d: {  	_ =	shalt  }
0x4e: {  	_ =	shalt  }
0x4f: {  	_ =	shalt  }
0x50: {  	_ =	shalt  }
0x51: {  	_ =	shalt  }
0x52: {  	_ =	shalt  }
0x53: {  	_ =	shalt  }
0x54: {  	_ =	shalt  }
0x55: {  	_ =	shalt  }
0x56: {  	_ =	shalt  }
0x57: {  	_ =	shalt  }
0x58: {  	_ =	shalt  }
0x59: {  	_ =	shalt  }
0x5a: {  	_ =	shalt  }
0x5b: {  	_ =	shalt  }
0x5c: {  	_ =	shalt  }
0x5d: {  	_ =	shalt  }
0x5e: {  	_ =	shalt  }
0x5f: {  	_ =	shalt  }
0x60: {  	_ =	shalt  }
0x61: {  	_ =	shalt  }
0x62: {  	_ =	shalt  }
0x63: {  	_ =	shalt  }
0x64: {  	_ =	shalt  }
0x65: {  	_ =	shalt  }
0x66: {  	_ =	shalt  }
0x67: {  	_ =	shalt  }
0x68: {  	_ =	shalt  }
0x69: {  	_ =	shalt  }
0x6a: {  	_ =	shalt  }
0x6b: {  	_ =	shalt  }
0x6c: {  	_ =	shalt  }
0x6d: {  	_ =	shalt  }
0x6e: {  	_ =	shalt  }
0x6f: {  	_ =	shalt  }
0x70: {  	_ =	shalt  }
0x71: {  	_ =	shalt  }
0x72: {  	_ =	shalt  }
0x73: {  	_ =	shalt  }
0x74: {  	_ =	shalt  }
0x75: {  	_ =	shalt  }
0x76: {  	_ =	shalt  }
0x77: {  	_ =	shalt  }
0x78: {  	_ =	shalt  }
0x79: {  	_ =	shalt  }
0x7a: {  	_ =	shalt  }
0x7b: {  	_ =	shalt  }
0x7c: {  	_ =	shalt  }
0x7d: {  	_ =	shalt  }
0x7e: {  	_ =	shalt  }
0x7f: {  	_ =	shalt  }
0x80: {  	_ =	shalt  }
0x81: {  	_ =	shalt  }
0x82: {  	_ =	shalt  }
0x83: {  	_ =	shalt  }
0x84: {  	_ =	shalt  }
0x85: {  	_ =	shalt  }
0x86: {  	_ =	shalt  }
0x87: {  	_ =	shalt  }
.Lfunc_end0:
.L_simem_size_0:
called_computation.1_lowered:
.L_overlay_start_0:
0x88: {  	s2 =	sld [smem:$0x3FD9]  }
0x89: {  	s3 =	sld [smem:$0x3FFE];
	_ =	sdelay $0x1  }
0x8a: {  	s1 =	srdreg.scid  }
0x8b: {  	s0 =	sand.u32 $0x1, s1  }
0x8c: {  	s16 =	sshll.u32 s0, $0xA;
	s2 =	sadd.s32 s3, s2  }
0x8d: {  	s2 =	sadd.s32 s2, s16  }
0x8e: {  	[smem:$0x3FC0] =	sst s2  }
0x8f: {  	_ = 	snop  }
0x90: {  	(tm) =	ssettm $0x1  }
0x91: {  	s17 =	sld [smem:$0x3FFB];
	_ =	sdelay $0x3  }
0x92: {  	_ =	strace s17  }
0x93: {  	s2 =	sld [smem:$0x3FFC];
	_ =	sdelay $0x3  }
0x94: {  	_ =	strace s2  }
0x95: {  	s2 =	sld [smem:$0x3FFD];
	_ =	sdelay $0x3  }
0x96: {  	_ =	strace s2  }
0x97: {  	_ =	strace $0x8FFFFFFF  }
0x98: {  	s18 =	sld [smem:$0x3FDB];
	_ =	sdelay $0x1  }
0x99: {  	s19 =	simm.s32 $_scs_section_size  }
0x9a: {  	s4 =	simm.s32 $_size__tile_overlayer_lowered;
	s5 =	simm.s32 $_tile_overlayer_lowered  }
0x9b: {  	s22 =	simm.s32 $0x1BFF;
	s21 =	sshll.u32 s5, $0x1;
	s2 =	sadd.s32 s19, s18  }
0x9c: {  	s6 =	simm.s32 $0x0;
	s20 =	sshll.u32 s4, $0x1;
	s4 =	sadd.s32 s21, s2  }
0x9d: {  	[timem:s6], [sflag:s22] =	dma.local [hbm:s4], s20  }
0x9e: {  	_ =	swait.ge [sflag:s22], s20  }
0x9f: {  	s3 =	ssub.s32 $0x0, s20;
	[sflag:s22] =	ssyncset.done $0x0  }
0xa0: {  	[sflag:s22] =	ssyncadd.s32 s3;
	_ =	sdelay $0x1  }
0xa1: {  	s23 =	simm.s32 $0x1B8B  }
0xa2: {  	_ =	swait.ge [sflag:s23], $0x1  }
0xa3: {  	[sflag:s23] =	ssyncset.done $0x0  }
0xa4: {  	s25 =	simm.s32 $0x1B8E;
	s24 =	sld [smem:$0x3FFE];
	[sflag:s23] =	ssyncadd.s32 $0xFFFFFFFF  }
0xa5: {  	s26 =	simm.s32 $execute0_lowered;
	[smem:$0x3FD2] =	sst s25  }
0xa6: {  	s4 =	sshll.u32 s26, $0x1;
	_ =	strace $0x80000049;
	[dreg:$0x1] =	wrdreg $0xFFFFFFFF  }
0xa7: {  	s28 =	simm.s32 $_size_execute0_lowered;
	s2 =	sadd.s32 s2, s4;
	[dreg:$0x0] =	wrdreg $0x0  }
0xa8: {  	s4 =	sshll.u32 s28, $0x1;
	[dreg:$0x2] =	wrdreg s2  }
0xa9: {  	[dreg:$0x3] =	wrdreg s4  }
0xaa: {  	[dreg:$0x4] =	wrdreg $0xC0  }
0xab: {  	_ =	task [dreg:s6], $0x5FFFF  }
0xac: {  	[dreg:$0x1] =	wrdreg $0xFFFFFFFF  }
0xad: {  	[dreg:$0x0] =	wrdreg $0x60  }
0xae: {  	[dreg:$0x2] =	wrdreg s24  }
0xaf: {  	[dreg:$0x3] =	wrdreg $0xA0000  }
0xb0: {  	[dreg:$0x4] =	wrdreg $0x9  }
0xb1: {  	_ =	task.clear_ibuf [dreg:s6], $0x5FFFF;
	_ =	strace $0x90000049  }
0xb2: {  	s29 =	simm.s32 $0x9;
	_ =	strace $0x8000004B  }
0xb3: {  	_ =	swait.ge [sflag:s29], $0x1  }
0xb4: {  	[sflag:s29] =	ssyncadd.s32 $0xFFFFFFFF  }
0xb5: {  	_ =	strace $0x9000004B  }
0xb6: {  	_ =	sfence  }
0xb7: {  	s30 =	sld [smem:$0x0];
	_ =	sdelay $0x2  }
0xb8: {  	s31 =	sshll.u32 s1, $0xD;
	s1 =	sshrl.u32 s1, $0x2  }
0xb9: {  	s3 =	sand.u32 $0x4000, s31;
	s1 =	sadd.s32 s1, s30  }
0xba: {  	s0 =	sor.u32 s3, s0;
	s1 =	sshll.u32 s1, $0x11  }
0xbb: {  	s0 =	sor.u32 s1, s0  }
0xbc: {  	s0 =	sadd.s32 $0x8F2B, s0  }
0xbd: {  	[sflag:s0] =	ssyncadd.remote.s32 $0x1  }
0xbe: {  	_ =	sfence.sel $0xFFFF  }
0xbf: {  	[dreg:$0x0] =	wrdreg $0xFFFFFFFF;
	(pc) =	sbr.abs _section_cstart, $3  }
0xc0: {  	[dreg:$0x1] =	wrdreg $0xFFFFFFFF  }
0xc1: {  	_ =	task.clear_ibuf [dreg:s6], $0x2FFFF;
	_ =	strace $0x9FFFFFFF  }
0xc2: {  	(tm) =	ssettm $0x7FFFFFFF  }
0xc3: {  	_ =	shalt  }
tec
execute0_lowered:
.L_overlay_start_1:
0x0: {  	(tag) =	ssettag $0x1  }
0x1: {  	s0 =	rddreg [dreg:$0x0]  }
0x2: {  	s1 =	rddreg [dreg:$0x1];
	s2 =	simm.s32 $0x0;
	s6 =	stileid.u32  }
0x3: {  	s5 =	srdreg.scid;
	s16 =	simm.s32 $0x2000;
	s18 =	simm.s32 $0x4000  }
0x4: {  	s28 =	simm.s32 $0x6;
	s29 =	simm.s32 $0x3;
	s7 =	smul.u32 $0x2800, s6  }
0x5: {  	s30 =	simm.s32 $0x7;
	s31 =	simm.s32 $0x4;
	s9 =	smul.u32 $0x50000, s6  }
0x6: {  	[smem:$0x7FF] =	sst s2;
	s3 =	sadd.s32 $0x51600, s0;
	s12 =	smul.u32 $0xA000, s6  }
0x7: {  	s4 =	sadd.s32 $0x29600, s0;
	s8 =	sand.u32 $0x1, s5;
	s19 =	smul.u32 $0x13800, s6  }
0x8: {  	s5 =	sadd.s32 $0x1000, s0;
	s20 =	sshll.u32 s6, $0x6;
	s15 =	smul.u32 $0x4E000, s6  }
0x9: {  	p0 =	sne.s32 s6, $0x0;
	_ =	strace $0x8000004A;
	s10 =	smul.u32 $0xA0000, s8  }
0xa: {  	s11 =	ssub.s32 $0x2, s8;
	s14 =	smul.u32 $0x138800, s8;
	s17 =	sor.u32 $0x1C09, s20  }
0xb: {  	s20 =	simm.s32 $0x6000;
	s7 =	sadd.s32 s7, s0;
	s0 =	sadd.s32 $0xC7800, s0  }
0xc: {  	s13 =	sshrl.u32 s11, $0x1;
	s9 =	sshrl.u32 s9, $0x2;
	s22 =	sshrl.u32 s15, $0x2  }
0xd: {  	s15 =	simm.s32 $0x40;
	[dreg:$0x4] =	wrdreg s17;
	s11 =	ssub.s32 s11, s13  }
0xe: {  	s9 =	sadd.s32 s9, s1;
	s7 =	sadd.s32 $0x9F800, s7;
	s8 =	sadd.s32 s12, s10  }
0xf: {  	s21 =	sadd.s32 s19, s14;
	s23 =	sshrl.u32 s14, $0x3;
	s24 =	sadd.s32 s22, s1  }
0x10: {  	s13 =	simm.s32 $0x9;
	s22 =	simm.s32 $0x1;
	s10 =	simm.s32 $0x1E80  }
0x11: {  	s12 =	simm.s32 $0x1F80;
	s14 =	simm.s32 $0x0;
	[dreg:$0x3] =	wrdreg s7  }
0x12: {  	s7 =	sshrl.u32 s21, $0x3;
	s25 =	smax.u32 s11, $0x1;
	s9 =	sshrl.u32 s9, $0x3  }
0x13: {  	s21 =	simm.s32 $0x8000;
	s26 =	sshrl.u32 s24, $0x3;
	[dreg:$0x7] =	wrdreg s25  }
0x14: {  	s7 =	sadd.s32 s0, s7;
	s0 =	sadd.s32 s0, s23;
	[dreg:$0x8] =	wrdreg s9  }
0x15: {  	s11 =	simm.s32 $0x1F00;
	[dreg:$0x9] =	wrdreg s26;
	s0 =	sadd.s32 $0x27000, s0  }
0x16: {  	s23 =	simm.s32 $0x5;
	[dreg:$0x6] =	wrdreg s0;
	s0 =	sadd.s32 $0x138000, s1  }
0x17: {  	s26 =	simm.s32 $0x2;
	[dreg:$0x5] =	wrdreg s7;
	s0 =	sshrl.u32 @!p0 s0, $0x3  }
0x18: {  	s9 =	simm.s32 $0x1E00;
	[dreg:$0xa] =	wrdreg s0;
	s0 =	simm.s32 $0x8  }
.LBB2_1:
0x19: {  	[dreg:$0xb] =	wrdreg s14  }
0x1a: {  	s6 =	rddreg [dreg:$0x3]  }
0x1b: {  	s7 =	rddreg [dreg:$0x8]  }
0x1c: {  	[spmem:s7], [sflag:s17] =	dma.local [hbm:s6], $0x2800  }
0x1d: {  	_ =	swait.ge [sflag:s13], $0x2800  }
0x1e: {  	[sflag:s13] =	ssyncset.done $0x0  }
0x1f: {  	[sflag:s13] =	ssyncadd.s32 $0xFFFFD800  }
0x20: {  	s25 =	simm.s32 $0x0;
	[bflag:$0x0] =	sbarrier.arrive $0xFFFF  }
.LBB2_2:
0x21: {  	s7 =	sshll.u32 s25, $0xC  }
0x22: {  	s7 =	sadd.s32 s7, s8  }
0x23: {  	s7 =	sshrl.u32 s7, $0x3  }
0x24: {  	s14 =	sadd.s32 s4, s7  }
0x25: {  	[tilespmem:s2], [sflag:$0x9] =	stream.linear.gather [hbm4b:s14+s2], $0x1000, $0x38;
	[tilespmem:$0x1E000] =	vst v63  }
0x26: {  	_ =	swait.ge [sflag:s13], $0x1000  }
0x27: {  	[sflag:s13] =	ssyncset.done $0x0  }
0x28: {  	s6 =	simm.s32 $0x1000;
	s7 =	sadd.s32 s5, s7;
	[sflag:s13] =	ssyncadd.s32 $0xFFFFF000  }
0x29: {  	[tilespmem:s6], [sflag:$0x9] =	stream.linear.gather [hbm4b:s7+s2], $0x1000, $0x38;
	[tilespmem:$0x1E000] =	vst v63  }
0x2a: {  	_ =	swait.ge [sflag:s13], $0x1000  }
0x2b: {  	p1 =	seq.s32 s25, $0x0;
	[sflag:s13] =	ssyncset.done $0x0  }
0x2c: {  	s7 =	simm.s32 @!p1 $0x5;
	[sflag:s13] =	ssyncadd.s32 $0xFFFFF000  }
0x2d: {  	_ =	swait.ge @!p1 [sflag:s7], $0x2000  }
0x2e: {  	[sflag:s7] =	ssyncset.done @!p1 $0x0  }
0x2f: {  	[sflag:s7] =	ssyncadd.s32 @!p1 $0xFFFFE000;
	s7 =	simm.s32 @!p1 $0x6  }
0x30: {  	_ =	swait.ge @!p1 [sflag:s7], $0x2000  }
0x31: {  	[sflag:s7] =	ssyncset.done @!p1 $0x0  }
0x32: {  	[sflag:s7] =	ssyncadd.s32 @!p1 $0xFFFFE000;
	s7 =	simm.s32 @!p1 $0x7  }
0x33: {  	_ =	swait.ge @!p1 [sflag:s7], $0x2000  }
0x34: {  	s19 =	simm.s32 $0x0;
	[sflag:s7] =	ssyncset.done @!p1 $0x0  }
0x35: {  	[sflag:s7] =	ssyncadd.s32 @!p1 $0xFFFFE000;
	s7 =	sor.u32 s25, s19  }
0x36: {  	[tilespmem:s16], [sflag:$0x1] =	stream.indirect.gather [hbm4b:s3+s15], $0x80, s19, s15, $0xb8;
	[tilespmem:$0x1E000] =	vst v63  }
0x37: {  	s24 =	simm.s32 $0x80;
	p1 =	seq.s32 s7, $0x0  }
0x38: {  	[tilespmem:s18], [sflag:$0x2] =	stream.indirect.gather [hbm4b:s3+s15], $0x80, s24, s15, $0xb8;
	[tilespmem:$0x1E000] =	vst v63  }
0x39: {  	s14 =	simm.s32 $0x100;
	s7 =	simm.s32 @!p1 $0x8  }
0x3a: {  	[tilespmem:s20], [sflag:$0x3] =	stream.indirect.gather [hbm4b:s3+s15], $0x80, s14, s15, $0xb8;
	[tilespmem:$0x1E000] =	vst v63  }
0x3b: {  	_ =	swait.ge @!p1 [sflag:s7], $0x2000  }
0x3c: {  	[sflag:s7] =	ssyncset.done @!p1 $0x0  }
0x3d: {  	s17 =	simm.s32 $0x180;
	[sflag:s7] =	ssyncadd.s32 @!p1 $0xFFFFE000  }
0x3e: {  	[tilespmem:s21], [sflag:$0x4] =	stream.indirect.gather [hbm4b:s3+s15], $0x80, s17, s15, $0xb8;
	[tilespmem:$0x1E000] =	vst v63  }
0x3f: {  	_ =	swait.ge [sflag:s22], $0x2000  }
0x40: {  	[sflag:s22] =	ssyncset.done $0x0  }
0x41: {  	s19 =	simm.s32 $0x1000;
	[sflag:s22] =	ssyncadd.s32 $0xFFFFE000  }
0x42: {  	[spmem:s1] =	stream.indirect.scatter.add.f32 [tilespmem:s16], [sflag:$0x5], $0x80, s19, s15, $0xb8;
	[tilespmem:$0x1E000] =	vst v63  }
0x43: {  	_ =	swait.ge [sflag:s23], $0x2000  }
0x44: {  	[sflag:s23] =	ssyncset.done $0x0  }
0x45: {  	s24 =	simm.s32 $0x200;
	[sflag:s23] =	ssyncadd.s32 $0xFFFFE000  }
0x46: {  	[tilespmem:s16], [sflag:$0x1] =	stream.indirect.gather [hbm4b:s3+s15], $0x80, s24, s15, $0xb8;
	[tilespmem:$0x1E000] =	vst v63  }
0x47: {  	_ =	swait.ge [sflag:s26], $0x2000  }
0x48: {  	[sflag:s26] =	ssyncset.done $0x0  }
0x49: {  	s6 =	simm.s32 $0x1080;
	[sflag:s26] =	ssyncadd.s32 $0xFFFFE000  }
0x4a: {  	[spmem:s1] =	stream.indirect.scatter.add.f32 [tilespmem:s18], [sflag:$0x6], $0x80, s6, s15, $0xb8;
	[tilespmem:$0x1E000] =	vst v63  }
0x4b: {  	_ =	swait.ge [sflag:s28], $0x2000  }
0x4c: {  	[sflag:s28] =	ssyncset.done $0x0  }
0x4d: {  	s14 =	simm.s32 $0x280;
	[sflag:s28] =	ssyncadd.s32 $0xFFFFE000  }
0x4e: {  	[tilespmem:s18], [sflag:$0x2] =	stream.indirect.gather [hbm4b:s3+s15], $0x80, s14, s15, $0xb8;
	[tilespmem:$0x1E000] =	vst v63  }
0x4f: {  	_ =	swait.ge [sflag:s29], $0x2000  }
0x50: {  	[sflag:s29] =	ssyncset.done $0x0  }
0x51: {  	s17 =	simm.s32 $0x1100;
	[sflag:s29] =	ssyncadd.s32 $0xFFFFE000  }
0x52: {  	[spmem:s1] =	stream.indirect.scatter.add.f32 [tilespmem:s20], [sflag:$0x7], $0x80, s17, s15, $0xb8;
	[tilespmem:$0x1E000] =	vst v63  }
0x53: {  	_ =	swait.ge [sflag:s30], $0x2000  }
0x54: {  	s7 =	simm.s32 $0x800;
	[sflag:s30] =	ssyncset.done $0x0  }
0x55: {  	s19 =	simm.s32 $0x300;
	s24 =	simm.s32 $0x1;
	[sflag:s30] =	ssyncadd.s32 $0xFFFFE000  }
0x56: {  	[tilespmem:s20], [sflag:$0x3] =	stream.indirect.gather [hbm4b:s3+s15], $0x80, s19, s15, $0xb8;
	[tilespmem:$0x1E000] =	vst v63  }
0x57: {  	s14 =	simm.s32 $0x1000;
	s17 =	sor.u32 s25, s24;
	_ =	swait.ge [sflag:s31], $0x2000  }
0x58: {  	p2 =	seq.s32 s17, $0x0;
	s17 =	simm.s32 $0x1180;
	[sflag:s31] =	ssyncset.done $0x0  }
.LBB2_3:
0x59: {  	s19 =	simm.s32 @!p2 $0x8  }
0x5a: {  	[sflag:s31] =	ssyncadd.s32 $0xFFFFE000;
	s6 =	smov.u32 s14;
	s14 =	sadd.s32 $0x800, s14  }
0x5b: {  	[spmem:s1] =	stream.indirect.scatter.add.f32 [tilespmem:s21], [sflag:$0x8], $0x80, s17, s15, $0xb8;
	[tilespmem:$0x1E000] =	vst v63  }
0x5c: {  	p1 =	sne.s32 s14, $0x3800;
	_ =	swait.ge @!p2 [sflag:s19], $0x2000  }
0x5d: {  	s17 =	sshra.s32 s7, $0x2;
	s7 =	smov.u32 s6;
	[sflag:s19] =	ssyncset.done @!p2 $0x0  }
0x5e: {  	s6 =	sadd.s32 $0x180, s17;
	[sflag:s19] =	ssyncadd.s32 @!p2 $0xFFFFE000  }
0x5f: {  	[tilespmem:s21], [sflag:$0x4] =	stream.indirect.gather [hbm4b:s3+s15], $0x80, s6, s15, $0xb8;
	[tilespmem:$0x1E000] =	vst v63  }
0x60: {  	_ =	swait.ge [sflag:s22], $0x2000  }
0x61: {  	[sflag:s22] =	ssyncset.done $0x0  }
0x62: {  	s6 =	sadd.s32 $0x1000, s17;
	[sflag:s22] =	ssyncadd.s32 $0xFFFFE000  }
0x63: {  	[spmem:s1] =	stream.indirect.scatter.add.f32 [tilespmem:s16], [sflag:$0x5], $0x80, s6, s15, $0xb8;
	[tilespmem:$0x1E000] =	vst v63  }
0x64: {  	_ =	swait.ge [sflag:s23], $0x2000  }
0x65: {  	[sflag:s23] =	ssyncset.done $0x0  }
0x66: {  	s6 =	sadd.s32 $0x200, s17;
	[sflag:s23] =	ssyncadd.s32 $0xFFFFE000  }
0x67: {  	[tilespmem:s16], [sflag:$0x1] =	stream.indirect.gather [hbm4b:s3+s15], $0x80, s6, s15, $0xb8;
	[tilespmem:$0x1E000] =	vst v63  }
0x68: {  	_ =	swait.ge [sflag:s26], $0x2000  }
0x69: {  	[sflag:s26] =	ssyncset.done $0x0  }
0x6a: {  	s6 =	sadd.s32 $0x1080, s17;
	[sflag:s26] =	ssyncadd.s32 $0xFFFFE000  }
0x6b: {  	[spmem:s1] =	stream.indirect.scatter.add.f32 [tilespmem:s18], [sflag:$0x6], $0x80, s6, s15, $0xb8;
	[tilespmem:$0x1E000] =	vst v63  }
0x6c: {  	_ =	swait.ge [sflag:s28], $0x2000  }
0x6d: {  	[sflag:s28] =	ssyncset.done $0x0  }
0x6e: {  	s6 =	sadd.s32 $0x280, s17;
	[sflag:s28] =	ssyncadd.s32 $0xFFFFE000  }
0x6f: {  	[tilespmem:s18], [sflag:$0x2] =	stream.indirect.gather [hbm4b:s3+s15], $0x80, s6, s15, $0xb8;
	[tilespmem:$0x1E000] =	vst v63  }
0x70: {  	_ =	swait.ge [sflag:s29], $0x2000  }
0x71: {  	[sflag:s29] =	ssyncset.done $0x0  }
0x72: {  	s6 =	sadd.s32 $0x1100, s17;
	[sflag:s29] =	ssyncadd.s32 $0xFFFFE000  }
0x73: {  	[spmem:s1] =	stream.indirect.scatter.add.f32 [tilespmem:s20], [sflag:$0x7], $0x80, s6, s15, $0xb8;
	[tilespmem:$0x1E000] =	vst v63  }
0x74: {  	_ =	swait.ge [sflag:s30], $0x2000  }
.Ltmp0:
0x75: {  	[sflag:s30] =	ssyncset.done $0x0;
	(pc) =	sbr.rel @p1 .LBB2_3-.Ltmp0, $4  }
0x76: {  	s24 =	sadd.s32 $0x1, s24;
	s6 =	sadd.s32 $0x300, s17;
	[sflag:s30] =	ssyncadd.s32 $0xFFFFE000  }
0x77: {  	[tilespmem:s20], [sflag:$0x3] =	stream.indirect.gather [hbm4b:s3+s15], $0x80, s6, s15, $0xb8;
	[tilespmem:$0x1E000] =	vst v63  }
0x78: {  	s6 =	sor.u32 s25, s24;
	_ =	swait.ge [sflag:s31], $0x2000  }
0x79: {  	s17 =	sadd.s32 $0x1180, s17;
	p2 =	seq.s32 s6, $0x0;
	[sflag:s31] =	ssyncset.done $0x0  }
0x7a: {  	s6 =	simm.s32 @!p2 $0x8;
	[sflag:s31] =	ssyncadd.s32 $0xFFFFE000  }
0x7b: {  	[spmem:s1] =	stream.indirect.scatter.add.f32 [tilespmem:s21], [sflag:$0x8], $0x80, s17, s15, $0xb8;
	[tilespmem:$0x1E000] =	vst v63  }
0x7c: {  	_ =	swait.ge @!p2 [sflag:s6], $0x2000  }
0x7d: {  	s7 =	sshra.s32 s7, $0x2;
	[sflag:s6] =	ssyncset.done @!p2 $0x0  }
0x7e: {  	s24 =	sadd.s32 $0x180, s7;
	[sflag:s6] =	ssyncadd.s32 @!p2 $0xFFFFE000  }
0x7f: {  	[tilespmem:s21], [sflag:$0x4] =	stream.indirect.gather [hbm4b:s3+s15], $0x80, s24, s15, $0xb8;
	[tilespmem:$0x1E000] =	vst v63  }
0x80: {  	_ =	swait.ge [sflag:s22], $0x2000  }
0x81: {  	[sflag:s22] =	ssyncset.done $0x0  }
0x82: {  	s14 =	sadd.s32 $0x1000, s7;
	[sflag:s22] =	ssyncadd.s32 $0xFFFFE000  }
0x83: {  	[spmem:s1] =	stream.indirect.scatter.add.f32 [tilespmem:s16], [sflag:$0x5], $0x80, s14, s15, $0xb8;
	[tilespmem:$0x1E000] =	vst v63  }
0x84: {  	_ =	swait.ge [sflag:s23], $0x2000  }
0x85: {  	[sflag:s23] =	ssyncset.done $0x0  }
0x86: {  	s17 =	sadd.s32 $0x200, s7;
	[sflag:s23] =	ssyncadd.s32 $0xFFFFE000  }
0x87: {  	[tilespmem:s16], [sflag:$0x1] =	stream.indirect.gather [hbm4b:s3+s15], $0x80, s17, s15, $0xb8;
	[tilespmem:$0x1E000] =	vst v63  }
0x88: {  	_ =	swait.ge [sflag:s26], $0x2000  }
0x89: {  	[sflag:s26] =	ssyncset.done $0x0  }
0x8a: {  	s19 =	sadd.s32 $0x1080, s7;
	[sflag:s26] =	ssyncadd.s32 $0xFFFFE000  }
0x8b: {  	[spmem:s1] =	stream.indirect.scatter.add.f32 [tilespmem:s18], [sflag:$0x6], $0x80, s19, s15, $0xb8;
	[tilespmem:$0x1E000] =	vst v63  }
0x8c: {  	_ =	swait.ge [sflag:s28], $0x2000  }
0x8d: {  	[sflag:s28] =	ssyncset.done $0x0  }
0x8e: {  	s24 =	sadd.s32 $0x280, s7;
	[sflag:s28] =	ssyncadd.s32 $0xFFFFE000  }
0x8f: {  	[tilespmem:s18], [sflag:$0x2] =	stream.indirect.gather [hbm4b:s3+s15], $0x80, s24, s15, $0xb8;
	[tilespmem:$0x1E000] =	vst v63  }
0x90: {  	_ =	swait.ge [sflag:s29], $0x2000  }
0x91: {  	[sflag:s29] =	ssyncset.done $0x0  }
0x92: {  	s14 =	sadd.s32 $0x1100, s7;
	[sflag:s29] =	ssyncadd.s32 $0xFFFFE000  }
0x93: {  	[spmem:s1] =	stream.indirect.scatter.add.f32 [tilespmem:s20], [sflag:$0x7], $0x80, s14, s15, $0xb8;
	[tilespmem:$0x1E000] =	vst v63  }
0x94: {  	_ =	swait.ge [sflag:s30], $0x2000  }
0x95: {  	[sflag:s30] =	ssyncset.done $0x0  }
0x96: {  	s17 =	sadd.s32 $0x300, s7;
	[sflag:s30] =	ssyncadd.s32 $0xFFFFE000  }
0x97: {  	[tilespmem:s20], [sflag:$0x3] =	stream.indirect.gather [hbm4b:s3+s15], $0x80, s17, s15, $0xb8;
	[tilespmem:$0x1E000] =	vst v63  }
0x98: {  	_ =	swait.ge [sflag:s31], $0x2000  }
0x99: {  	[sflag:s31] =	ssyncset.done $0x0  }
0x9a: {  	s19 =	sadd.s32 $0x1180, s7;
	[sflag:s31] =	ssyncadd.s32 $0xFFFFE000  }
0x9b: {  	[spmem:s1] =	stream.indirect.scatter.add.f32 [tilespmem:s21], [sflag:$0x8], $0x80, s19, s15, $0xb8;
	[tilespmem:$0x1E000] =	vst v63  }
0x9c: {  	_ =	swait.ge [sflag:s0], $0x2000  }
0x9d: {  	[sflag:s0] =	ssyncset.done $0x0  }
0x9e: {  	s24 =	simm.s32 $0xF80;
	[sflag:s0] =	ssyncadd.s32 $0xFFFFE000  }
0x9f: {  	[tilespmem:s21], [sflag:$0x4] =	stream.indirect.gather [hbm4b:s3+s15], $0x80, s24, s15, $0xb8;
	[tilespmem:$0x1E000] =	vst v63  }
0xa0: {  	_ =	swait.ge [sflag:s22], $0x2000  }
0xa1: {  	[sflag:s22] =	ssyncset.done $0x0  }
0xa2: {  	[sflag:s22] =	ssyncadd.s32 $0xFFFFE000  }
0xa3: {  	[spmem:s1] =	stream.indirect.scatter.add.f32 [tilespmem:s16], [sflag:$0x5], $0x80, s9, s15, $0xb8;
	[tilespmem:$0x1E000] =	vst v63  }
0xa4: {  	_ =	swait.ge [sflag:s26], $0x2000  }
0xa5: {  	[sflag:s26] =	ssyncset.done $0x0  }
0xa6: {  	[sflag:s26] =	ssyncadd.s32 $0xFFFFE000  }
0xa7: {  	[spmem:s1] =	stream.indirect.scatter.add.f32 [tilespmem:s18], [sflag:$0x6], $0x80, s10, s15, $0xb8;
	[tilespmem:$0x1E000] =	vst v63  }
0xa8: {  	_ =	swait.ge [sflag:s29], $0x2000  }
0xa9: {  	s25 =	sadd.s32 $0x1, s25;
	[sflag:s29] =	ssyncset.done $0x0  }
0xaa: {  	p1 =	sne.s32 s25, $0xA;
	[sflag:s29] =	ssyncadd.s32 $0xFFFFE000  }
0xab: {  	[spmem:s1] =	stream.indirect.scatter.add.f32 [tilespmem:s20], [sflag:$0x7], $0x80, s11, s15, $0xb8;
	[tilespmem:$0x1E000] =	vst v63  }
.Ltmp1:
0xac: {  	_ = 	snop;
	(pc) =	sbr.rel @p1 .LBB2_2-.Ltmp1, $4  }
0xad: {  	_ =	swait.ge [sflag:s31], $0x2000  }
0xae: {  	[sflag:s31] =	ssyncset.done $0x0  }
0xaf: {  	[sflag:s31] =	ssyncadd.s32 $0xFFFFE000  }
0xb0: {  	[spmem:s1] =	stream.indirect.scatter.add.f32 [tilespmem:s21], [sflag:$0x8], $0x80, s12, s15, $0xb8;
	[tilespmem:$0x1E000] =	vst v63  }
0xb1: {  	_ =	swait.ge [sflag:s23], $0x2000  }
0xb2: {  	[sflag:s23] =	ssyncset.done $0x0  }
0xb3: {  	[sflag:s23] =	ssyncadd.s32 $0xFFFFE000  }
0xb4: {  	_ =	swait.ge [sflag:s28], $0x2000  }
0xb5: {  	[sflag:s28] =	ssyncset.done $0x0  }
0xb6: {  	[sflag:s28] =	ssyncadd.s32 $0xFFFFE000  }
0xb7: {  	_ =	swait.ge [sflag:s30], $0x2000  }
0xb8: {  	[sflag:s30] =	ssyncset.done $0x0  }
0xb9: {  	[sflag:s30] =	ssyncadd.s32 $0xFFFFE000  }
0xba: {  	_ =	swait.ge [sflag:s0], $0x2000  }
0xbb: {  	[sflag:s0] =	ssyncset.done $0x0  }
0xbc: {  	[sflag:s0] =	ssyncadd.s32 $0xFFFFE000  }
0xbd: {  	[bflag:$0x0] =	sbarrier.arrive $0xFFFF  }
0xbe: {  	s17 =	rddreg [dreg:$0x4]  }
0xbf: {  	s6 =	rddreg [dreg:$0x5]  }
0xc0: {  	s7 =	rddreg [dreg:$0x9]  }
0xc1: {  	[hbm:s6], [sflag:s17] =	dma.local [spmem:s7], $0x2700  }
0xc2: {  	_ =	swait.ge [sflag:s13], $0x2700  }
0xc3: {  	[sflag:s13] =	ssyncset.done $0x0;
	s6 =	rddreg [dreg:$0x6]  }
0xc4: {  	s7 =	rddreg [dreg:$0xa];
	[sflag:s13] =	ssyncadd.s32 $0xFFFFD900  }
0xc5: {  	[hbm:s6], [sflag:s17] =	dma.local @!p0 [spmem:s7], $0x100  }
0xc6: {  	s6 =	simm.s32 @!p0 $0x9  }
0xc7: {  	_ =	swait.ge @!p0 [sflag:s6], $0x100  }
0xc8: {  	s14 =	rddreg [dreg:$0xb]  }
0xc9: {  	s25 =	rddreg [dreg:$0x7];
	s14 =	sadd.s32 $0x1, s14  }
0xca: {  	p1 =	sne.s32 s14, s25  }
.Ltmp2:
0xcb: {  	_ = 	snop;
	(pc) =	sbr.rel @p1 .LBB2_1-.Ltmp2, $3  }
0xcc: {  	_ =	sdelay $0x1  }
0xcd: {  	[sflag:s6] =	ssyncset.done @!p0 $0x0  }
0xce: {  	[sflag:s6] =	ssyncadd.s32 @!p0 $0xFFFFFF00  }
0xcf: {  	_ =	sfence.sel $0x180000  }
0xd0: {  	[bflag:$0x0] =	sbarrier.arrive $0xFFFF  }
0xd1: {  	_ =	strace $0x9000004A  }
0xd2: {  	[bflag:$0x2] =	sbarrier.arrive $0xFFFF  }
0xd3: {  	s0 =	rddreg [dreg:$0x2]  }
0xd4: {  	s0 =	sadd.s32 @!p0 $0x100000, s0  }
0xd5: {  	[sflag:s0] =	ssyncadd.tile.s32 @!p0 $0x1;
	_ =	shalt  }
.Lfunc_end2:
_tile_overlayer_lowered:
.L_overlay_start_2:
0xd6: {  	(tag) =	ssettag $0x2  }
0xd7: {  	s0 =	rddreg [dreg:$0x0];
	s2 =	stileid.u32  }
0xd8: {  	s1 =	rddreg [dreg:$0x1];
	p0 =	sne.s32 s2, $0x0  }
0xd9: {  	s3 =	rddreg [dreg:$0x2];
	[bflag:$0x3] =	sbarrier.arrive $0xFFFF;
	s2 =	simm.s32 @!p0 $0x1C09  }
0xda: {  	[timem:s3], [sflag:s2] =	dma.local @!p0 [hbm:s0], s1  }
0xdb: {  	s0 =	simm.s32 @!p0 $0x9  }
0xdc: {  	_ =	swait.ge @!p0 [sflag:s0], s1  }
0xdd: {  	s1 =	ssub.s32 @!p0 $0x0, s1;
	[sflag:s0] =	ssyncset.done @!p0 $0x0  }
0xde: {  	[sflag:s0] =	ssyncadd.s32 @!p0 s1  }
0xdf: {  	[bflag:$0x3] =	sbarrier.arrive $0xFFFF  }
0xe0: {  	_ =	shalt  }

// kernel: kernel.7.cloned.1.call-start
scs
__scs_entry_jumppad:
0x0: {  	(pc) =	sbr.rel $0x88, $3  }
0x1: {  	(tag) =	ssettag $0x0;
	lr =	simm.s32 $0x1  }
0x2: {  	[smem:$0x3F99] =	sst lr;
	_ =	strace $0xD0000000  }
0x3: {  	_ = 	snop  }
0x4: {  	_ = 	snop  }
0x5: {  	_ = 	snop  }
0x6: {  	_ = 	snop  }
0x7: {  	_ = 	snop  }
__scs_overlays_trampoline_lowered:
0x8: {  	[smem:$0x3FA8] =	sst s0  }
0x9: {  	[smem:$0x3FA9] =	sst s1  }
0xa: {  	[smem:$0x3FAA] =	sst s2  }
0xb: {  	[smem:$0x3FAB] =	sst s3  }
0xc: {  	[smem:$0x3FAC] =	sst s4  }
0xd: {  	[smem:$0x3FAD] =	sst s5  }
0xe: {  	[smem:$0x3FAE] =	sst s6  }
0xf: {  	[smem:$0x3FAF] =	sst s7  }
0x10: {  	[smem:$0x3FB0] =	sst s8  }
0x11: {  	[smem:$0x3FB1] =	sst s9;
	s0 =	simm.s32 @!p0 $0x0  }
0x12: {  	s1 =	sld [smem:$0x3F97];
	s0 =	simm.s32 @p0 $0x1  }
0x13: {  	[smem:$0x3FB2] =	sst s0;
	s0 =	simm.s32 @!p1 $0x0  }
0x14: {  	s2 =	sld [smem:$0x3F96];
	s0 =	simm.s32 @p1 $0x1  }
0x15: {  	[smem:$0x3FB3] =	sst s0;
	s0 =	simm.s32 @!p2 $0x0  }
0x16: {  	s3 =	sld [smem:$0x3FDB];
	s0 =	simm.s32 @p2 $0x1  }
0x17: {  	s4 =	simm.s32 $0x1BF5;
	[smem:$0x3FB5] =	sst s0  }
0x18: {  	s0 =	sld [smem:$0x3F98];
	_ =	swait.ge [sflag:s4], $0x0  }
0x19: {  	s7 =	sld [smem:$0x3F99]  }
0x1a: {  	s8 =	sadd.s32 $0xFFFFE003, lr  }
0x1b: {  	s9 =	sadd.s32 $0xFFFFFEF7, lr;
	s5 =	simm.s32 $0xFFFFFFFF;
	p2 =	slt.u32 s8, $0xFFFFF086  }
0x1c: {  	p1 =	slt.u32 s9, $0xF7A;
	s5 =	simm.s32 @!p2 $0x0  }
0x1d: {  	s5 =	simm.s32 @p1 $0x1;
	p0 =	seq.s32 s7, s2  }
0x1e: {  	s7 =	smul.u32 @!p0 $0xF7A, s2;
	p2 =	seq.s32 @!p0 s5, $0x0  }
0x1f: {  	s9 =	smul.u32 $0xF7A, s1;
	s8 =	simm.s32 @!p0 $0x1BF5;
	p2 =	por !p2, p0  }
0x20: {  	[sflag:s8] =	ssyncset.s32 @!p0 $0xFFFFF086;
	s6 =	sadd.s32 @!p0 s3, s7;
	s7 =	simm.s32 @!p0 $0x108  }
0x21: {  	s3 =	sadd.s32 s3, s9;
	s6 =	sadd.s32 @!p0 $0x88, s6;
	s7 =	simm.s32 @p2 $0x1082  }
0x22: {  	[simem:s7], [sflag:s8] =	dma.local @!p0 [hbm:s6], $0xF7A  }
0x23: {  	s9 =	sor.u32 $0xD0000000, s2;
	s6 =	simm.s32 $0x108;
	_ =	swait.ge @!p0 [sflag:s8], $0x0  }
0x24: {  	s3 =	sadd.s32 $0x88, s3;
	s6 =	simm.s32 @!p1 $0x1082;
	[sflag:s4] =	ssyncset.s32 $0xFFFFF086  }
0x25: {  	[simem:s6], [sflag:s4] =	dma.local [hbm:s3], $0xF7A  }
0x26: {  	[smem:$0x3F99] =	sst s1;
	(tag) =	ssettag s2;
	_ =	strace s9  }
0x27: {  	s1 =	sld [smem:$0x3FA9]  }
0x28: {  	s2 =	sld [smem:$0x3FAA]  }
0x29: {  	s4 =	sld [smem:$0x3FAC]  }
0x2a: {  	p0 =	seq.s32 s5, $0x0;
	s5 =	sld [smem:$0x3FAD]  }
0x2b: {  	s6 =	sld [smem:$0x3FAE]  }
0x2c: {  	s7 =	sld [smem:$0x3FAF]  }
0x2d: {  	s3 =	simm.s32 $0x108;
	s8 =	sld [smem:$0x3FB0]  }
0x2e: {  	s3 =	simm.s32 @!p0 $0x1082;
	s9 =	sld [smem:$0x3FB1]  }
0x2f: {  	lr =	sadd.s32 s0, s3;
	s0 =	sld [smem:$0x3FA8]  }
0x30: {  	s3 =	sld [smem:$0x3FAB]  }
0x31: {  	[smem:$0x3FB4] =	sst s10  }
0x32: {  	s10 =	sld [smem:$0x3FB2];
	_ =	sdelay $0x3  }
0x33: {  	p0 =	seq.s32 s10, $0x1;
	s10 =	sld [smem:$0x3FB4];
	_ =	sdelay $0x3  }
0x34: {  	[smem:$0x3FB4] =	sst s10  }
0x35: {  	s10 =	sld [smem:$0x3FB3];
	_ =	sdelay $0x3  }
0x36: {  	p1 =	seq.s32 s10, $0x1;
	s10 =	sld [smem:$0x3FB4];
	_ =	sdelay $0x3  }
0x37: {  	[smem:$0x3FB4] =	sst s10  }
0x38: {  	s10 =	sld [smem:$0x3FB5]  }
0x39: {  	_ = 	snop;
	(pc) =	sbr.ind lr, $3  }
0x3a: {  	_ = 	snop  }
0x3b: {  	_ = 	snop  }
0x3c: {  	p2 =	seq.s32 s10, $0x1;
	s10 =	sld [smem:$0x3FB4]  }
0x3d: {  	_ =	shalt  }
0x3e: {  	_ =	shalt  }
0x3f: {  	_ =	shalt  }
0x40: {  	_ =	shalt  }
0x41: {  	_ =	shalt  }
0x42: {  	_ =	shalt  }
0x43: {  	_ =	shalt  }
0x44: {  	_ =	shalt  }
0x45: {  	_ =	shalt  }
0x46: {  	_ =	shalt  }
0x47: {  	_ =	shalt  }
0x48: {  	_ =	shalt  }
0x49: {  	_ =	shalt  }
0x4a: {  	_ =	shalt  }
0x4b: {  	_ =	shalt  }
0x4c: {  	_ =	shalt  }
0x4d: {  	_ =	shalt  }
0x4e: {  	_ =	shalt  }
0x4f: {  	_ =	shalt  }
0x50: {  	_ =	shalt  }
0x51: {  	_ =	shalt  }
0x52: {  	_ =	shalt  }
0x53: {  	_ =	shalt  }
0x54: {  	_ =	shalt  }
0x55: {  	_ =	shalt  }
0x56: {  	_ =	shalt  }
0x57: {  	_ =	shalt  }
0x58: {  	_ =	shalt  }
0x59: {  	_ =	shalt  }
0x5a: {  	_ =	shalt  }
0x5b: {  	_ =	shalt  }
0x5c: {  	_ =	shalt  }
0x5d: {  	_ =	shalt  }
0x5e: {  	_ =	shalt  }
0x5f: {  	_ =	shalt  }
0x60: {  	_ =	shalt  }
0x61: {  	_ =	shalt  }
0x62: {  	_ =	shalt  }
0x63: {  	_ =	shalt  }
0x64: {  	_ =	shalt  }
0x65: {  	_ =	shalt  }
0x66: {  	_ =	shalt  }
0x67: {  	_ =	shalt  }
0x68: {  	_ =	shalt  }
0x69: {  	_ =	shalt  }
0x6a: {  	_ =	shalt  }
0x6b: {  	_ =	shalt  }
0x6c: {  	_ =	shalt  }
0x6d: {  	_ =	shalt  }
0x6e: {  	_ =	shalt  }
0x6f: {  	_ =	shalt  }
0x70: {  	_ =	shalt  }
0x71: {  	_ =	shalt  }
0x72: {  	_ =	shalt  }
0x73: {  	_ =	shalt  }
0x74: {  	_ =	shalt  }
0x75: {  	_ =	shalt  }
0x76: {  	_ =	shalt  }
0x77: {  	_ =	shalt  }
0x78: {  	_ =	shalt  }
0x79: {  	_ =	shalt  }
0x7a: {  	_ =	shalt  }
0x7b: {  	_ =	shalt  }
0x7c: {  	_ =	shalt  }
0x7d: {  	_ =	shalt  }
0x7e: {  	_ =	shalt  }
0x7f: {  	_ =	shalt  }
0x80: {  	_ =	shalt  }
0x81: {  	_ =	shalt  }
0x82: {  	_ =	shalt  }
0x83: {  	_ =	shalt  }
0x84: {  	_ =	shalt  }
0x85: {  	_ =	shalt  }
0x86: {  	_ =	shalt  }
0x87: {  	_ =	shalt  }
.Lfunc_end0:
.L_simem_size_0:
called_computation_lowered:
.L_overlay_start_0:
0x88: {  	s2 =	sld [smem:$0x3FD9]  }
0x89: {  	s3 =	sld [smem:$0x3FFE];
	_ =	sdelay $0x1  }
0x8a: {  	s1 =	srdreg.scid  }
0x8b: {  	s0 =	sand.u32 $0x1, s1  }
0x8c: {  	s17 =	sshll.u32 s0, $0xA;
	s2 =	sadd.s32 s3, s2  }
0x8d: {  	s2 =	sadd.s32 s2, s17  }
0x8e: {  	[smem:$0x3FC0] =	sst s2  }
0x8f: {  	_ = 	snop  }
0x90: {  	s2 =	sld [smem:$0x3FD0];
	(tm) =	ssettm $0x1  }
0x91: {  	s18 =	sld [smem:$0x3FFB];
	_ =	sdelay $0x3  }
0x92: {  	_ =	strace s18  }
0x93: {  	s3 =	sld [smem:$0x3FFC];
	_ =	sdelay $0x3  }
0x94: {  	_ =	strace s3  }
0x95: {  	s3 =	sld [smem:$0x3FFD];
	_ =	sdelay $0x3  }
0x96: {  	_ =	strace s3  }
0x97: {  	_ =	strace $0x8FFFFFFF  }
0x98: {  	s19 =	sld [smem:$0x3FDB];
	_ =	sdelay $0x1  }
0x99: {  	s4 =	simm.s32 $_scs_section_size  }
0x9a: {  	s5 =	simm.s32 $_size__tile_overlayer_lowered;
	s6 =	simm.s32 $_tile_overlayer_lowered  }
0x9b: {  	s22 =	simm.s32 $0x1BFF;
	s21 =	sshll.u32 s6, $0x1;
	s3 =	sadd.s32 s4, s19  }
0x9c: {  	s7 =	simm.s32 $0x0;
	s20 =	sshll.u32 s5, $0x1;
	s5 =	sadd.s32 s21, s3  }
0x9d: {  	[timem:s7], [sflag:s22] =	dma.local [hbm:s5], s20  }
0x9e: {  	_ =	swait.ge [sflag:s22], s20  }
0x9f: {  	s4 =	ssub.s32 $0x0, s20;
	[sflag:s22] =	ssyncset.done $0x0  }
0xa0: {  	[sflag:s22] =	ssyncadd.s32 s4;
	_ =	sdelay $0x1  }
0xa1: {  	s23 =	simm.s32 $0x1B8B  }
0xa2: {  	_ =	swait.ge [sflag:s23], $0x1  }
0xa3: {  	[sflag:s23] =	ssyncset.done $0x0  }
0xa4: {  	s25 =	simm.s32 $0x1B8E;
	s24 =	sld [smem:$0x3FFE];
	[sflag:s23] =	ssyncadd.s32 $0xFFFFFFFF  }
0xa5: {  	s26 =	simm.s32 $execute0_lowered;
	[smem:$0x3FD2] =	sst s25  }
0xa6: {  	s5 =	sshll.u32 s26, $0x1;
	_ =	strace $0x80000046;
	[dreg:$0x1] =	wrdreg $0xFFFFFFFF  }
0xa7: {  	s28 =	simm.s32 $_size_execute0_lowered;
	s3 =	sadd.s32 s3, s5;
	[dreg:$0x0] =	wrdreg $0x0  }
0xa8: {  	s5 =	sshll.u32 s28, $0x1;
	[dreg:$0x2] =	wrdreg s3  }
0xa9: {  	[dreg:$0x3] =	wrdreg s5  }
0xaa: {  	[dreg:$0x4] =	wrdreg $0xC0  }
0xab: {  	_ =	task [dreg:s7], $0x5FFFF  }
0xac: {  	[dreg:$0x1] =	wrdreg $0xFFFFFFFF  }
0xad: {  	[dreg:$0x0] =	wrdreg $0x60  }
0xae: {  	[dreg:$0x2] =	wrdreg s24  }
0xaf: {  	[dreg:$0x3] =	wrdreg s2  }
0xb0: {  	[dreg:$0x4] =	wrdreg $0xCD000  }
0xb1: {  	[dreg:$0x5] =	wrdreg $0x9  }
0xb2: {  	_ =	task.clear_ibuf [dreg:s7], $0x6FFFF;
	_ =	strace $0x90000046  }
0xb3: {  	s29 =	simm.s32 $0x9;
	_ =	strace $0x80000048  }
0xb4: {  	_ =	swait.ge [sflag:s29], $0x1  }
0xb5: {  	[sflag:s29] =	ssyncadd.s32 $0xFFFFFFFF  }
0xb6: {  	_ =	strace $0x90000048  }
0xb7: {  	_ =	sfence  }
0xb8: {  	s30 =	sld [smem:$0x0];
	_ =	sdelay $0x2  }
0xb9: {  	s31 =	sshll.u32 s1, $0xD;
	s1 =	sshrl.u32 s1, $0x2  }
0xba: {  	s3 =	sand.u32 $0x4000, s31;
	s1 =	sadd.s32 s1, s30  }
0xbb: {  	s0 =	sor.u32 s3, s0;
	s1 =	sshll.u32 s1, $0x11  }
0xbc: {  	s0 =	sor.u32 s1, s0  }
0xbd: {  	s0 =	sadd.s32 $0x8F2B, s0  }
0xbe: {  	[sflag:s0] =	ssyncadd.remote.s32 $0x1  }
0xbf: {  	_ =	sfence.sel $0xFFFF  }
0xc0: {  	[dreg:$0x0] =	wrdreg $0xFFFFFFFF;
	(pc) =	sbr.abs _section_cstart, $3  }
0xc1: {  	[dreg:$0x1] =	wrdreg $0xFFFFFFFF  }
0xc2: {  	_ =	task.clear_ibuf [dreg:s7], $0x2FFFF;
	_ =	strace $0x9FFFFFFF  }
0xc3: {  	(tm) =	ssettm $0x7FFFFFFF  }
tec
execute0_lowered:
.L_overlay_start_1:
0x0: {  	(tag) =	ssettag $0x1  }
0x1: {  	s0 =	rddreg [dreg:$0x0]  }
0x2: {  	s1 =	rddreg [dreg:$0x1];
	s2 =	srdreg.scid  }
0x3: {  	s5 =	rddreg [dreg:$0x2];
	s21 =	stileid.u32;
	s6 =	simm.s32 $0x0  }
0x4: {  	s28 =	simm.s32 $0x400;
	s29 =	simm.s32 $0xC800;
	s4 =	smul.u32 $0xA000, s21  }
0x5: {  	s30 =	simm.s32 $0xCA80;
	s16 =	sand.u32 $0x1, s2;
	s9 =	smul.u32 $0x5000, s21  }
0x6: {  	[smem:$0x7FF] =	sst s6;
	s22 =	sshrl.u32 s21, $0x3;
	s18 =	smul.u32 $0x500, s21  }
0x7: {  	s26 =	sshll.u32 s21, $0x7;
	s3 =	smul.u32 $0xA0000, s16;
	_ =	strace $0x80000047  }
0x8: {  	s23 =	ssub.s32 $0x2, s16;
	s7 =	smul.u32 $0x50000, s22;
	s6 =	sand.u32 $0x380, s26  }
0x9: {  	s19 =	sshll.u32 s16, $0x7;
	s26 =	simm.s32 $0x80;
	s8 =	sshrl.u32 s23, $0x1  }
0xa: {  	s31 =	sshrl.u32 s9, $0x2;
	s20 =	sor.u32 s19, s18;
	s3 =	sadd.s32 s4, s3  }
0xb: {  	s25 =	ssub.s32 s23, s8;
	s7 =	sshrl.u32 s7, $0x2;
	s22 =	sshrl.u32 s20, $0x3  }
0xc: {  	s3 =	sshrl.u32 s3, $0x3;
	s7 =	sadd.s32 s7, s5;
	s5 =	sadd.s32 s31, s5  }
0xd: {  	s22 =	sadd.s32 s1, s22;
	s23 =	smax.u32 s25, $0x1;
	s25 =	simm.s32 $0x1  }
0xe: {  	s24 =	sadd.s32 s3, s0;
	s3 =	sadd.s32 $0x29000, s0;
	s6 =	sadd.s32 s6, s7  }
0xf: {  	s7 =	sadd.s32 $0x80, s5;
	s8 =	sadd.s32 $0x100, s5;
	s9 =	sadd.s32 $0x180, s5  }
0x10: {  	s10 =	sadd.s32 $0x200, s5;
	s11 =	sadd.s32 $0x280, s5;
	s12 =	sadd.s32 $0x300, s5  }
0x11: {  	s13 =	sadd.s32 $0x380, s5;
	s14 =	sadd.s32 $0x14000, s5;
	s15 =	sadd.s32 $0x14080, s5  }
0x12: {  	s16 =	sadd.s32 $0x14100, s5;
	s17 =	sadd.s32 $0x14180, s5;
	s18 =	sadd.s32 $0x14200, s5  }
0x13: {  	s19 =	sadd.s32 $0x14280, s5;
	s20 =	sadd.s32 $0x14300, s5;
	s21 =	sadd.s32 $0x14380, s5  }
0x14: {  	v0 =	vimm.f32 $1.000000000e+00;
	s0 =	simm.s32 $0x0;
	s4 =	sadd.s32 $0x1000, s24;
	s24 =	simm.s32 $0xA000  }
.LBB2_1:
0x15: {  	s1 =	simm.s32 $0x0  }
0x16: {  	[tilespmem:s24], [sflag:$0x1] =	stream.linear.gather [hbm4b:s3+s1], $0x2800, $0x38;
	[tilespmem:$0xF500] =	vst v63  }
0x17: {  	_ =	swait.ge [sflag:s25], $0x2800  }
0x18: {  	[sflag:s25] =	ssyncset.done $0x0  }
0x19: {  	[sflag:s25] =	ssyncadd.s32 $0xFFFFD800  }
0x1a: {  	[tilespmem:s1], [sflag:$0x1] =	stream.linear.gather [hbm4b:s4+s1], $0xA000, $0x38;
	[tilespmem:$0xF500] =	vst v63  }
0x1b: {  	_ =	swait.ge [sflag:s25], $0xA000  }
0x1c: {  	[sflag:s25] =	ssyncset.done $0x0  }
0x1d: {  	s1 =	simm.s32 $0x0;
	[sflag:s25] =	ssyncadd.s32 $0xFFFF6000  }
.LBB2_2:
0x1e: {  	s31 =	sshra.s32 s1, $0x2  }
0x1f: {  	v1 =	vld [tilespmem:s31+$0x0];
	_ =	sdelay $0x7  }
0x20: {  	[tilespmem:v1+s24+$0x0] =	vst.idx.add.f32.msk $0xffff, v0  }
0x21: {  	v1 =	vld [tilespmem:s31+$0x10];
	_ =	sdelay $0x7  }
0x22: {  	[tilespmem:v1+s24+$0x0] =	vst.idx.add.f32.msk $0xffff, v0  }
0x23: {  	v1 =	vld [tilespmem:s31+$0x20];
	_ =	sdelay $0x7  }
0x24: {  	[tilespmem:v1+s24+$0x0] =	vst.idx.add.f32.msk $0xffff, v0  }
0x25: {  	v1 =	vld [tilespmem:s31+$0x30];
	_ =	sdelay $0x2  }
0x26: {  	p0 =	sne.s32 s1, $0x27E00  }
.Ltmp0:
0x27: {  	_ = 	snop;
	(pc) =	sbr.rel @p0 .LBB2_2-.Ltmp0, $2  }
0x28: {  	_ =	sdelay $0x2  }
0x29: {  	s1 =	sadd.s32 $0x200, s1;
	[tilespmem:v1+s24+$0x0] =	vst.idx.add.f32.msk $0xffff, v0  }
0x2a: {  	[spmem:s6] =	stream.strided.scatter [tilespmem:s24], [sflag:$0x1], $0x2800, s28, s26, $0x38;
	[tilespmem:$0xF500] =	vst v63  }
0x2b: {  	_ =	swait.ge [sflag:s25], $0x2800  }
0x2c: {  	[sflag:s25] =	ssyncset.done $0x0  }
0x2d: {  	[sflag:s25] =	ssyncadd.s32 $0xFFFFD800  }
0x2e: {  	[bflag:$0x0] =	sbarrier.arrive $0xFFFF  }
0x2f: {  	[tilespmem:s29], [sflag:$0x1] =	stream.strided.gather [spmem:s5], $0x280, s28, s26, $0x38;
	[tilespmem:$0xF500] =	vst v63  }
0x30: {  	_ =	swait.ge [sflag:s25], $0x280  }
0x31: {  	[sflag:s25] =	ssyncset.done $0x0  }
0x32: {  	[sflag:s25] =	ssyncadd.s32 $0xFFFFFD80  }
0x33: {  	[tilespmem:s30], [sflag:$0x1] =	stream.strided.gather [spmem:s7], $0x280, s28, s26, $0x38;
	[tilespmem:$0xF500] =	vst v63  }
0x34: {  	_ =	swait.ge [sflag:s25], $0x280  }
0x35: {  	[sflag:s25] =	ssyncset.done $0x0  }
0x36: {  	s1 =	simm.s32 $0x0;
	[sflag:s25] =	ssyncadd.s32 $0xFFFFFD80  }
0x37: {  	s31 =	simm.s32 $0x40;
	v1 =	vld [tilespmem:s1+$0xCA80]  }
.LBB2_4:
0x38: {  	p0 =	sne.s32 s31, $0x9C0;
	v2 =	vld [tilespmem:s1+$0xC800];
	_ =	sdelay $0x2  }
.Ltmp1:
0x39: {  	(pc) =	sbr.rel @p0 .LBB2_4-.Ltmp1, $4  }
0x3a: {  	_ = 	snop  }
0x3b: {  	v2 =	vadd.f32 v1, v2  }
0x3c: {  	s2 =	sshra.s32 s31, $0x2  }
0x3d: {  	s31 =	sadd.s32 $0x40, s31;
	v1 =	vld [tilespmem:s2+$0xCA80];
	[tilespmem:s1+$0xC800] =	vst v2;
	s1 =	smov.u32 s2  }
0x3e: {  	v2 =	vld [tilespmem:s1+$0xC800];
	_ =	sdelay $0x4  }
0x3f: {  	v1 =	vadd.f32 v1, v2;
	_ =	sdelay $0x1  }
0x40: {  	[tilespmem:s1+$0xC800] =	vst v1  }
0x41: {  	[tilespmem:s30], [sflag:$0x1] =	stream.strided.gather [spmem:s8], $0x280, s28, s26, $0x38;
	[tilespmem:$0xF500] =	vst v63  }
0x42: {  	_ =	swait.ge [sflag:s25], $0x280  }
0x43: {  	[sflag:s25] =	ssyncset.done $0x0  }
0x44: {  	s1 =	simm.s32 $0x0;
	[sflag:s25] =	ssyncadd.s32 $0xFFFFFD80  }
0x45: {  	s31 =	simm.s32 $0x40;
	v1 =	vld [tilespmem:s1+$0xCA80]  }
.LBB2_6:
0x46: {  	p0 =	sne.s32 s31, $0x9C0;
	v2 =	vld [tilespmem:s1+$0xC800];
	_ =	sdelay $0x2  }
.Ltmp2:
0x47: {  	(pc) =	sbr.rel @p0 .LBB2_6-.Ltmp2, $4  }
0x48: {  	_ = 	snop  }
0x49: {  	v2 =	vadd.f32 v1, v2  }
0x4a: {  	s2 =	sshra.s32 s31, $0x2  }
0x4b: {  	s31 =	sadd.s32 $0x40, s31;
	v1 =	vld [tilespmem:s2+$0xCA80];
	[tilespmem:s1+$0xC800] =	vst v2;
	s1 =	smov.u32 s2  }
0x4c: {  	v2 =	vld [tilespmem:s1+$0xC800];
	_ =	sdelay $0x4  }
0x4d: {  	v1 =	vadd.f32 v1, v2;
	_ =	sdelay $0x1  }
0x4e: {  	[tilespmem:s1+$0xC800] =	vst v1  }
0x4f: {  	[tilespmem:s30], [sflag:$0x1] =	stream.strided.gather [spmem:s9], $0x280, s28, s26, $0x38;
	[tilespmem:$0xF500] =	vst v63  }
0x50: {  	_ =	swait.ge [sflag:s25], $0x280  }
0x51: {  	[sflag:s25] =	ssyncset.done $0x0  }
0x52: {  	s1 =	simm.s32 $0x0;
	[sflag:s25] =	ssyncadd.s32 $0xFFFFFD80  }
0x53: {  	s31 =	simm.s32 $0x40;
	v1 =	vld [tilespmem:s1+$0xCA80]  }
.LBB2_8:
0x54: {  	p0 =	sne.s32 s31, $0x9C0;
	v2 =	vld [tilespmem:s1+$0xC800];
	_ =	sdelay $0x2  }
.Ltmp3:
0x55: {  	(pc) =	sbr.rel @p0 .LBB2_8-.Ltmp3, $4  }
0x56: {  	_ = 	snop  }
0x57: {  	v2 =	vadd.f32 v1, v2  }
0x58: {  	s2 =	sshra.s32 s31, $0x2  }
0x59: {  	s31 =	sadd.s32 $0x40, s31;
	v1 =	vld [tilespmem:s2+$0xCA80];
	[tilespmem:s1+$0xC800] =	vst v2;
	s1 =	smov.u32 s2  }
0x5a: {  	v2 =	vld [tilespmem:s1+$0xC800];
	_ =	sdelay $0x4  }
0x5b: {  	v1 =	vadd.f32 v1, v2;
	_ =	sdelay $0x1  }
0x5c: {  	[tilespmem:s1+$0xC800] =	vst v1  }
0x5d: {  	[tilespmem:s30], [sflag:$0x1] =	stream.strided.gather [spmem:s10], $0x280, s28, s26, $0x38;
	[tilespmem:$0xF500] =	vst v63  }
0x5e: {  	_ =	swait.ge [sflag:s25], $0x280  }
0x5f: {  	[sflag:s25] =	ssyncset.done $0x0  }
0x60: {  	s1 =	simm.s32 $0x0;
	[sflag:s25] =	ssyncadd.s32 $0xFFFFFD80  }
0x61: {  	s31 =	simm.s32 $0x40;
	v1 =	vld [tilespmem:s1+$0xCA80]  }
.LBB2_10:
0x62: {  	p0 =	sne.s32 s31, $0x9C0;
	v2 =	vld [tilespmem:s1+$0xC800];
	_ =	sdelay $0x2  }
.Ltmp4:
0x63: {  	(pc) =	sbr.rel @p0 .LBB2_10-.Ltmp4, $4  }
0x64: {  	_ = 	snop  }
0x65: {  	v2 =	vadd.f32 v1, v2  }
0x66: {  	s2 =	sshra.s32 s31, $0x2  }
0x67: {  	s31 =	sadd.s32 $0x40, s31;
	v1 =	vld [tilespmem:s2+$0xCA80];
	[tilespmem:s1+$0xC800] =	vst v2;
	s1 =	smov.u32 s2  }
0x68: {  	v2 =	vld [tilespmem:s1+$0xC800];
	_ =	sdelay $0x4  }
0x69: {  	v1 =	vadd.f32 v1, v2;
	_ =	sdelay $0x1  }
0x6a: {  	[tilespmem:s1+$0xC800] =	vst v1  }
0x6b: {  	[tilespmem:s30], [sflag:$0x1] =	stream.strided.gather [spmem:s11], $0x280, s28, s26, $0x38;
	[tilespmem:$0xF500] =	vst v63  }
0x6c: {  	_ =	swait.ge [sflag:s25], $0x280  }
0x6d: {  	[sflag:s25] =	ssyncset.done $0x0  }
0x6e: {  	s1 =	simm.s32 $0x0;
	[sflag:s25] =	ssyncadd.s32 $0xFFFFFD80  }
0x6f: {  	s31 =	simm.s32 $0x40;
	v1 =	vld [tilespmem:s1+$0xCA80]  }
.LBB2_12:
0x70: {  	p0 =	sne.s32 s31, $0x9C0;
	v2 =	vld [tilespmem:s1+$0xC800];
	_ =	sdelay $0x2  }
.Ltmp5:
0x71: {  	(pc) =	sbr.rel @p0 .LBB2_12-.Ltmp5, $4  }
0x72: {  	_ = 	snop  }
0x73: {  	v2 =	vadd.f32 v1, v2  }
0x74: {  	s2 =	sshra.s32 s31, $0x2  }
0x75: {  	s31 =	sadd.s32 $0x40, s31;
	v1 =	vld [tilespmem:s2+$0xCA80];
	[tilespmem:s1+$0xC800] =	vst v2;
	s1 =	smov.u32 s2  }
0x76: {  	v2 =	vld [tilespmem:s1+$0xC800];
	_ =	sdelay $0x4  }
0x77: {  	v1 =	vadd.f32 v1, v2;
	_ =	sdelay $0x1  }
0x78: {  	[tilespmem:s1+$0xC800] =	vst v1  }
0x79: {  	[tilespmem:s30], [sflag:$0x1] =	stream.strided.gather [spmem:s12], $0x280, s28, s26, $0x38;
	[tilespmem:$0xF500] =	vst v63  }
0x7a: {  	_ =	swait.ge [sflag:s25], $0x280  }
0x7b: {  	[sflag:s25] =	ssyncset.done $0x0  }
0x7c: {  	s1 =	simm.s32 $0x0;
	[sflag:s25] =	ssyncadd.s32 $0xFFFFFD80  }
0x7d: {  	s31 =	simm.s32 $0x40;
	v1 =	vld [tilespmem:s1+$0xCA80]  }
.LBB2_14:
0x7e: {  	p0 =	sne.s32 s31, $0x9C0;
	v2 =	vld [tilespmem:s1+$0xC800];
	_ =	sdelay $0x2  }
.Ltmp6:
0x7f: {  	(pc) =	sbr.rel @p0 .LBB2_14-.Ltmp6, $4  }
0x80: {  	_ = 	snop  }
0x81: {  	v2 =	vadd.f32 v1, v2  }
0x82: {  	s2 =	sshra.s32 s31, $0x2  }
0x83: {  	s31 =	sadd.s32 $0x40, s31;
	v1 =	vld [tilespmem:s2+$0xCA80];
	[tilespmem:s1+$0xC800] =	vst v2;
	s1 =	smov.u32 s2  }
0x84: {  	v2 =	vld [tilespmem:s1+$0xC800];
	_ =	sdelay $0x4  }
0x85: {  	v1 =	vadd.f32 v1, v2;
	_ =	sdelay $0x1  }
0x86: {  	[tilespmem:s1+$0xC800] =	vst v1  }
0x87: {  	[tilespmem:s30], [sflag:$0x1] =	stream.strided.gather [spmem:s13], $0x280, s28, s26, $0x38;
	[tilespmem:$0xF500] =	vst v63  }
0x88: {  	_ =	swait.ge [sflag:s25], $0x280  }
0x89: {  	[sflag:s25] =	ssyncset.done $0x0  }
0x8a: {  	s1 =	simm.s32 $0x0;
	[sflag:s25] =	ssyncadd.s32 $0xFFFFFD80  }
0x8b: {  	s31 =	simm.s32 $0x40;
	v1 =	vld [tilespmem:s1+$0xCA80]  }
.LBB2_16:
0x8c: {  	p0 =	sne.s32 s31, $0x9C0;
	v2 =	vld [tilespmem:s1+$0xC800];
	_ =	sdelay $0x2  }
.Ltmp7:
0x8d: {  	(pc) =	sbr.rel @p0 .LBB2_16-.Ltmp7, $4  }
0x8e: {  	_ = 	snop  }
0x8f: {  	v2 =	vadd.f32 v1, v2  }
0x90: {  	s2 =	sshra.s32 s31, $0x2  }
0x91: {  	s31 =	sadd.s32 $0x40, s31;
	v1 =	vld [tilespmem:s2+$0xCA80];
	[tilespmem:s1+$0xC800] =	vst v2;
	s1 =	smov.u32 s2  }
0x92: {  	v2 =	vld [tilespmem:s1+$0xC800];
	_ =	sdelay $0x4  }
0x93: {  	v1 =	vadd.f32 v1, v2;
	_ =	sdelay $0x1  }
0x94: {  	[tilespmem:s1+$0xC800] =	vst v1  }
0x95: {  	[tilespmem:s30], [sflag:$0x1] =	stream.strided.gather [spmem:s14], $0x280, s28, s26, $0x38;
	[tilespmem:$0xF500] =	vst v63  }
0x96: {  	_ =	swait.ge [sflag:s25], $0x280  }
0x97: {  	[sflag:s25] =	ssyncset.done $0x0  }
0x98: {  	s1 =	simm.s32 $0x0;
	[sflag:s25] =	ssyncadd.s32 $0xFFFFFD80  }
0x99: {  	s31 =	simm.s32 $0x40;
	v1 =	vld [tilespmem:s1+$0xCA80]  }
.LBB2_18:
0x9a: {  	p0 =	sne.s32 s31, $0x9C0;
	v2 =	vld [tilespmem:s1+$0xC800];
	_ =	sdelay $0x2  }
.Ltmp8:
0x9b: {  	(pc) =	sbr.rel @p0 .LBB2_18-.Ltmp8, $4  }
0x9c: {  	_ = 	snop  }
0x9d: {  	v2 =	vadd.f32 v1, v2  }
0x9e: {  	s2 =	sshra.s32 s31, $0x2  }
0x9f: {  	s31 =	sadd.s32 $0x40, s31;
	v1 =	vld [tilespmem:s2+$0xCA80];
	[tilespmem:s1+$0xC800] =	vst v2;
	s1 =	smov.u32 s2  }
0xa0: {  	v2 =	vld [tilespmem:s1+$0xC800];
	_ =	sdelay $0x4  }
0xa1: {  	v1 =	vadd.f32 v1, v2;
	_ =	sdelay $0x1  }
0xa2: {  	[tilespmem:s1+$0xC800] =	vst v1  }
0xa3: {  	[tilespmem:s30], [sflag:$0x1] =	stream.strided.gather [spmem:s15], $0x280, s28, s26, $0x38;
	[tilespmem:$0xF500] =	vst v63  }
0xa4: {  	_ =	swait.ge [sflag:s25], $0x280  }
0xa5: {  	[sflag:s25] =	ssyncset.done $0x0  }
0xa6: {  	s1 =	simm.s32 $0x0;
	[sflag:s25] =	ssyncadd.s32 $0xFFFFFD80  }
0xa7: {  	s31 =	simm.s32 $0x40;
	v1 =	vld [tilespmem:s1+$0xCA80]  }
.LBB2_20:
0xa8: {  	p0 =	sne.s32 s31, $0x9C0;
	v2 =	vld [tilespmem:s1+$0xC800];
	_ =	sdelay $0x2  }
.Ltmp9:
0xa9: {  	(pc) =	sbr.rel @p0 .LBB2_20-.Ltmp9, $4  }
0xaa: {  	_ = 	snop  }
0xab: {  	v2 =	vadd.f32 v1, v2  }
0xac: {  	s2 =	sshra.s32 s31, $0x2  }
0xad: {  	s31 =	sadd.s32 $0x40, s31;
	v1 =	vld [tilespmem:s2+$0xCA80];
	[tilespmem:s1+$0xC800] =	vst v2;
	s1 =	smov.u32 s2  }
0xae: {  	v2 =	vld [tilespmem:s1+$0xC800];
	_ =	sdelay $0x4  }
0xaf: {  	v1 =	vadd.f32 v1, v2;
	_ =	sdelay $0x1  }
0xb0: {  	[tilespmem:s1+$0xC800] =	vst v1  }
0xb1: {  	[tilespmem:s30], [sflag:$0x1] =	stream.strided.gather [spmem:s16], $0x280, s28, s26, $0x38;
	[tilespmem:$0xF500] =	vst v63  }
0xb2: {  	_ =	swait.ge [sflag:s25], $0x280  }
0xb3: {  	[sflag:s25] =	ssyncset.done $0x0  }
0xb4: {  	s1 =	simm.s32 $0x0;
	[sflag:s25] =	ssyncadd.s32 $0xFFFFFD80  }
0xb5: {  	s31 =	simm.s32 $0x40;
	v1 =	vld [tilespmem:s1+$0xCA80]  }
.LBB2_22:
0xb6: {  	p0 =	sne.s32 s31, $0x9C0;
	v2 =	vld [tilespmem:s1+$0xC800];
	_ =	sdelay $0x2  }
.Ltmp10:
0xb7: {  	(pc) =	sbr.rel @p0 .LBB2_22-.Ltmp10, $4  }
0xb8: {  	_ = 	snop  }
0xb9: {  	v2 =	vadd.f32 v1, v2  }
0xba: {  	s2 =	sshra.s32 s31, $0x2  }
0xbb: {  	s31 =	sadd.s32 $0x40, s31;
	v1 =	vld [tilespmem:s2+$0xCA80];
	[tilespmem:s1+$0xC800] =	vst v2;
	s1 =	smov.u32 s2  }
0xbc: {  	v2 =	vld [tilespmem:s1+$0xC800];
	_ =	sdelay $0x4  }
0xbd: {  	v1 =	vadd.f32 v1, v2;
	_ =	sdelay $0x1  }
0xbe: {  	[tilespmem:s1+$0xC800] =	vst v1  }
0xbf: {  	[tilespmem:s30], [sflag:$0x1] =	stream.strided.gather [spmem:s17], $0x280, s28, s26, $0x38;
	[tilespmem:$0xF500] =	vst v63  }
0xc0: {  	_ =	swait.ge [sflag:s25], $0x280  }
0xc1: {  	[sflag:s25] =	ssyncset.done $0x0  }
0xc2: {  	s1 =	simm.s32 $0x0;
	[sflag:s25] =	ssyncadd.s32 $0xFFFFFD80  }
0xc3: {  	s31 =	simm.s32 $0x40;
	v1 =	vld [tilespmem:s1+$0xCA80]  }
.LBB2_24:
0xc4: {  	p0 =	sne.s32 s31, $0x9C0;
	v2 =	vld [tilespmem:s1+$0xC800];
	_ =	sdelay $0x2  }
.Ltmp11:
0xc5: {  	(pc) =	sbr.rel @p0 .LBB2_24-.Ltmp11, $4  }
0xc6: {  	_ = 	snop  }
0xc7: {  	v2 =	vadd.f32 v1, v2  }
0xc8: {  	s2 =	sshra.s32 s31, $0x2  }
0xc9: {  	s31 =	sadd.s32 $0x40, s31;
	v1 =	vld [tilespmem:s2+$0xCA80];
	[tilespmem:s1+$0xC800] =	vst v2;
	s1 =	smov.u32 s2  }
0xca: {  	v2 =	vld [tilespmem:s1+$0xC800];
	_ =	sdelay $0x4  }
0xcb: {  	v1 =	vadd.f32 v1, v2;
	_ =	sdelay $0x1  }
0xcc: {  	[tilespmem:s1+$0xC800] =	vst v1  }
0xcd: {  	[tilespmem:s30], [sflag:$0x1] =	stream.strided.gather [spmem:s18], $0x280, s28, s26, $0x38;
	[tilespmem:$0xF500] =	vst v63  }
0xce: {  	_ =	swait.ge [sflag:s25], $0x280  }
0xcf: {  	[sflag:s25] =	ssyncset.done $0x0  }
0xd0: {  	s1 =	simm.s32 $0x0;
	[sflag:s25] =	ssyncadd.s32 $0xFFFFFD80  }
0xd1: {  	s31 =	simm.s32 $0x40;
	v1 =	vld [tilespmem:s1+$0xCA80]  }
.LBB2_26:
0xd2: {  	p0 =	sne.s32 s31, $0x9C0;
	v2 =	vld [tilespmem:s1+$0xC800];
	_ =	sdelay $0x2  }
.Ltmp12:
0xd3: {  	(pc) =	sbr.rel @p0 .LBB2_26-.Ltmp12, $4  }
0xd4: {  	_ = 	snop  }
0xd5: {  	v2 =	vadd.f32 v1, v2  }
0xd6: {  	s2 =	sshra.s32 s31, $0x2  }
0xd7: {  	s31 =	sadd.s32 $0x40, s31;
	v1 =	vld [tilespmem:s2+$0xCA80];
	[tilespmem:s1+$0xC800] =	vst v2;
	s1 =	smov.u32 s2  }
0xd8: {  	v2 =	vld [tilespmem:s1+$0xC800];
	_ =	sdelay $0x4  }
0xd9: {  	v1 =	vadd.f32 v1, v2;
	_ =	sdelay $0x1  }
0xda: {  	[tilespmem:s1+$0xC800] =	vst v1  }
0xdb: {  	[tilespmem:s30], [sflag:$0x1] =	stream.strided.gather [spmem:s19], $0x280, s28, s26, $0x38;
	[tilespmem:$0xF500] =	vst v63  }
0xdc: {  	_ =	swait.ge [sflag:s25], $0x280  }
0xdd: {  	[sflag:s25] =	ssyncset.done $0x0  }
0xde: {  	s1 =	simm.s32 $0x0;
	[sflag:s25] =	ssyncadd.s32 $0xFFFFFD80  }
0xdf: {  	s31 =	simm.s32 $0x40;
	v1 =	vld [tilespmem:s1+$0xCA80]  }
.LBB2_28:
0xe0: {  	p0 =	sne.s32 s31, $0x9C0;
	v2 =	vld [tilespmem:s1+$0xC800];
	_ =	sdelay $0x2  }
.Ltmp13:
0xe1: {  	(pc) =	sbr.rel @p0 .LBB2_28-.Ltmp13, $4  }
0xe2: {  	_ = 	snop  }
0xe3: {  	v2 =	vadd.f32 v1, v2  }
0xe4: {  	s2 =	sshra.s32 s31, $0x2  }
0xe5: {  	s31 =	sadd.s32 $0x40, s31;
	v1 =	vld [tilespmem:s2+$0xCA80];
	[tilespmem:s1+$0xC800] =	vst v2;
	s1 =	smov.u32 s2  }
0xe6: {  	v2 =	vld [tilespmem:s1+$0xC800];
	_ =	sdelay $0x4  }
0xe7: {  	v1 =	vadd.f32 v1, v2;
	_ =	sdelay $0x1  }
0xe8: {  	[tilespmem:s1+$0xC800] =	vst v1  }
0xe9: {  	[tilespmem:s30], [sflag:$0x1] =	stream.strided.gather [spmem:s20], $0x280, s28, s26, $0x38;
	[tilespmem:$0xF500] =	vst v63  }
0xea: {  	_ =	swait.ge [sflag:s25], $0x280  }
0xeb: {  	[sflag:s25] =	ssyncset.done $0x0  }
0xec: {  	s1 =	simm.s32 $0x0;
	[sflag:s25] =	ssyncadd.s32 $0xFFFFFD80  }
0xed: {  	s31 =	simm.s32 $0x40;
	v1 =	vld [tilespmem:s1+$0xCA80]  }
.LBB2_30:
0xee: {  	p0 =	sne.s32 s31, $0x9C0;
	v2 =	vld [tilespmem:s1+$0xC800];
	_ =	sdelay $0x2  }
.Ltmp14:
0xef: {  	(pc) =	sbr.rel @p0 .LBB2_30-.Ltmp14, $4  }
0xf0: {  	_ = 	snop  }
0xf1: {  	v2 =	vadd.f32 v1, v2  }
0xf2: {  	s2 =	sshra.s32 s31, $0x2  }
0xf3: {  	s31 =	sadd.s32 $0x40, s31;
	v1 =	vld [tilespmem:s2+$0xCA80];
	[tilespmem:s1+$0xC800] =	vst v2;
	s1 =	smov.u32 s2  }
0xf4: {  	v2 =	vld [tilespmem:s1+$0xC800];
	_ =	sdelay $0x4  }
0xf5: {  	v1 =	vadd.f32 v1, v2;
	_ =	sdelay $0x1  }
0xf6: {  	[tilespmem:s1+$0xC800] =	vst v1  }
0xf7: {  	[tilespmem:s30], [sflag:$0x1] =	stream.strided.gather [spmem:s21], $0x280, s28, s26, $0x38;
	[tilespmem:$0xF500] =	vst v63  }
0xf8: {  	_ =	swait.ge [sflag:s25], $0x280  }
0xf9: {  	[sflag:s25] =	ssyncset.done $0x0  }
0xfa: {  	s1 =	simm.s32 $0x0;
	[sflag:s25] =	ssyncadd.s32 $0xFFFFFD80  }
0xfb: {  	s31 =	simm.s32 $0x40;
	v1 =	vld [tilespmem:s1+$0xCA80]  }
.LBB2_32:
0xfc: {  	p0 =	sne.s32 s31, $0x9C0;
	v2 =	vld [tilespmem:s1+$0xC800];
	_ =	sdelay $0x2  }
.Ltmp15:
0xfd: {  	(pc) =	sbr.rel @p0 .LBB2_32-.Ltmp15, $4  }
0xfe: {  	_ = 	snop  }
0xff: {  	v2 =	vadd.f32 v1, v2  }
0x100: {  	s2 =	sshra.s32 s31, $0x2  }
0x101: {  	s31 =	sadd.s32 $0x40, s31;
	v1 =	vld [tilespmem:s2+$0xCA80];
	[tilespmem:s1+$0xC800] =	vst v2;
	s1 =	smov.u32 s2  }
0x102: {  	v2 =	vld [tilespmem:s1+$0xC800];
	_ =	sdelay $0x4  }
0x103: {  	s0 =	sadd.s32 $0x1, s0;
	v1 =	vadd.f32 v1, v2  }
0x104: {  	p0 =	sne.s32 s0, s23  }
.Ltmp16:
0x105: {  	s31 =	simm.s32 $0x100;
	[tilespmem:s1+$0xC800] =	vst v1;
	(pc) =	sbr.rel @p0 .LBB2_1-.Ltmp16, $4  }
0x106: {  	[hbm4b:s22+s26] =	stream.strided.scatter [tilespmem:s29], [sflag:$0x1], $0x280, s31, s26, $0x38;
	[tilespmem:$0xF500] =	vst v63  }
0x107: {  	_ =	swait.ge [sflag:s25], $0x280  }
0x108: {  	[sflag:s25] =	ssyncset.done $0x0  }
0x109: {  	[sflag:s25] =	ssyncadd.s32 $0xFFFFFD80  }
0x10a: {  	_ =	sfence.sel $0x180000  }
0x10b: {  	[bflag:$0x0] =	sbarrier.arrive $0xFFFF  }
0x10c: {  	_ =	strace $0x90000047  }
0x10d: {  	s0 =	stileid.u32;
	[bflag:$0x2] =	sbarrier.arrive $0xFFFF  }
0x10e: {  	p0 =	sne.s32 s0, $0x0;
	s0 =	rddreg [dreg:$0x3]  }
0x10f: {  	s0 =	sadd.s32 @!p0 $0x100000, s0  }
0x110: {  	[sflag:s0] =	ssyncadd.tile.s32 @!p0 $0x1;
	_ =	shalt  }
.Lfunc_end2:
_tile_overlayer_lowered:
.L_overlay_start_2:
0x111: {  	(tag) =	ssettag $0x2  }
0x112: {  	s0 =	rddreg [dreg:$0x0];
	s2 =	stileid.u32  }
0x113: {  	s1 =	rddreg [dreg:$0x1];
	p0 =	sne.s32 s2, $0x0  }
0x114: {  	s3 =	rddreg [dreg:$0x2];
	[bflag:$0x3] =	sbarrier.arrive $0xFFFF;
	s2 =	simm.s32 @!p0 $0x1C01  }
0x115: {  	[timem:s3], [sflag:s2] =	dma.local @!p0 [hbm:s0], s1  }
0x116: {  	s0 =	simm.s32 @!p0 $0x1  }
0x117: {  	_ =	swait.ge @!p0 [sflag:s0], s1  }
0x118: {  	s1 =	ssub.s32 @!p0 $0x0, s1;
	[sflag:s0] =	ssyncset.done @!p0 $0x0  }
0x119: {  	[sflag:s0] =	ssyncadd.s32 @!p0 s1  }
0x11a: {  	[bflag:$0x3] =	sbarrier.arrive $0xFFFF  }
0x11b: {  	_ =	shalt  }

</sc_bundles>
